<compile_context>
chip_gen: v7x
topology: tpu7x:2x2x1
jax: 0.10.2.dev20260603
libtpu: 0.0.44.dev20260713+nightly
codegen_flags: <defaults>
</compile_context>

<pallas_src>
import functools

import jax
import jax.numpy as jnp
from jax import lax
from jax.experimental import pallas as pl
from jax.experimental.pallas import tpu as pltpu
from jax.experimental.pallas import tpu_sc as plsc

E = 8
TOP_K = 2
H = 1024
FF = 4096
NT = 4096
BM = 128
P = NT * TOP_K + E * BM
NB = P // BM

NC, NS = 2, 16
NW = NC * NS
TPW = NT // NW
CH = 64
CH2 = 32


def _router_body(x_ref, gt_ref, mx_ref, logits_ref, p0_ref, p1_ref,
                 g0_ref, g1_ref, bexp_ref):
    xb = x_ref[...].astype(jnp.bfloat16)
    gb = gt_ref[...].astype(jnp.bfloat16)
    l = lax.dot_general(xb, gb, (((1,), (0,)), ((), ())),
                        preferred_element_type=jnp.float32)
    logits_ref[...] = l
    m = jnp.max(l, axis=1, keepdims=True)
    ex = jnp.exp(l - m)
    probs = ex / jnp.sum(ex, axis=1, keepdims=True)
    eids = lax.broadcasted_iota(jnp.int32, (NT, E), 1)
    m1 = jnp.max(l, axis=1, keepdims=True)
    i1 = jnp.min(jnp.where(l == m1, eids, E), axis=1, keepdims=True)
    l2 = jnp.where(eids == i1, -jnp.inf, l)
    m2 = jnp.max(l2, axis=1, keepdims=True)
    i2 = jnp.min(jnp.where(l2 == m2, eids, E), axis=1, keepdims=True)
    g0_ref[...] = jnp.sum(jnp.where(eids == i1, probs, 0.0), axis=1,
                          keepdims=True)
    g1_ref[...] = jnp.sum(jnp.where(eids == i2, probs, 0.0), axis=1,
                          keepdims=True)
    oh0 = (eids == i1).astype(jnp.int32)
    oh1 = (eids == i2).astype(jnp.int32)
    both = oh0 + oh1
    inc = both
    tids = lax.broadcasted_iota(jnp.int32, (NT, E), 0)
    sh = 1
    while sh < NT:
        rolled = pltpu.roll(inc, sh, axis=0)
        inc = inc + jnp.where(tids >= sh, rolled, 0)
        sh *= 2
    excl = inc - both
    totals = lax.slice(inc, (NT - 1, 0), (NT, E))
    padded = ((totals + (BM - 1)) // BM) * BM
    offs = lax.dot_general(padded.astype(jnp.float32), mx_ref[...],
                           (((1,), (0,)), ((), ())),
                           preferred_element_type=jnp.float32,
                           precision=lax.Precision.HIGHEST).astype(jnp.int32)
    base = offs + excl
    p0_ref[...] = jnp.sum(oh0 * base, axis=1, keepdims=True)
    p1_ref[...] = jnp.sum(oh1 * base, axis=1, keepdims=True)
    used_cum = offs + padded
    brow = lax.broadcasted_iota(jnp.int32, (NB, E), 0) * BM
    bexp = jnp.sum((brow >= used_cum).astype(jnp.int32), axis=1,
                   keepdims=True)
    bexp_ref[...] = jnp.minimum(bexp, E - 1)


def _router(x, gate_t, mexcl):
    return pl.pallas_call(
        _router_body,
        out_shape=(
            jax.ShapeDtypeStruct((NT, E), jnp.float32),
            jax.ShapeDtypeStruct((NT, 1), jnp.int32),
            jax.ShapeDtypeStruct((NT, 1), jnp.int32),
            jax.ShapeDtypeStruct((NT, 1), jnp.float32),
            jax.ShapeDtypeStruct((NT, 1), jnp.float32),
            jax.ShapeDtypeStruct((NB, 1), jnp.int32),
        ),
        compiler_params=pltpu.CompilerParams(
            vmem_limit_bytes=100 * 1024 * 1024),
    )(x, gate_t, mexcl)


def _dispatch_body(x_hbm, p0_hbm, p1_hbm, xs_hbm, xbuf, i0, i1, sem):
    wid = lax.axis_index("s") * NC + lax.axis_index("c")
    base = wid * TPW
    for k in range(TPW // CH):
        tok = base + k * CH
        pltpu.sync_copy(x_hbm.at[pl.ds(tok, CH)], xbuf)
        pltpu.sync_copy(p0_hbm.at[pl.ds(tok, CH)], i0)
        pltpu.sync_copy(p1_hbm.at[pl.ds(tok, CH)], i1)
        d0 = pltpu.async_copy(xbuf, xs_hbm.at[i0], sem)
        d1 = pltpu.async_copy(xbuf, xs_hbm.at[i1], sem)
        d0.wait()
        d1.wait()


def _dispatch(x, p0, p1):
    mesh = plsc.VectorSubcoreMesh(core_axis_name="c", subcore_axis_name="s")
    f = pl.kernel(
        _dispatch_body,
        out_type=jax.ShapeDtypeStruct((P, H), jnp.float32),
        mesh=mesh,
        scratch_types=[
            pltpu.VMEM((CH, H), jnp.float32),
            pltpu.VMEM((CH,), jnp.int32),
            pltpu.VMEM((CH,), jnp.int32),
            pltpu.SemaphoreType.DMA,
        ],
    )
    return f(x, p0, p1)


def _gelu(h):
    return 0.5 * h * (1.0 + lax.erf(h * 0.7071067811865476))


NFF = 2
FFC = FF // NFF


def _ffn_body(bexp_ref, xs_ref, wfc_ref, wpj_ref, o_ref):
    del bexp_ref
    f = pl.program_id(1)
    xb = xs_ref[...].astype(jnp.bfloat16)
    h = lax.dot_general(xb, wfc_ref[0].astype(jnp.bfloat16),
                        (((1,), (1,)), ((), ())),
                        preferred_element_type=jnp.float32)
    h = _gelu(h).astype(jnp.bfloat16)
    o = lax.dot_general(h, wpj_ref[0].astype(jnp.bfloat16),
                        (((1,), (1,)), ((), ())),
                        preferred_element_type=jnp.float32)

    @pl.when(f == 0)
    def _():
        o_ref[...] = o

    @pl.when(f != 0)
    def _():
        o_ref[...] += o


def _ffn(bexp, xs, wfc, wpj):
    grid_spec = pltpu.PrefetchScalarGridSpec(
        num_scalar_prefetch=1,
        grid=(NB, NFF),
        in_specs=[
            pl.BlockSpec((BM, H), lambda b, f, be: (b, 0)),
            pl.BlockSpec((1, FFC, H), lambda b, f, be: (be[b], f, 0)),
            pl.BlockSpec((1, H, FFC), lambda b, f, be: (be[b], 0, f)),
        ],
        out_specs=pl.BlockSpec((BM, H), lambda b, f, be: (b, 0)),
    )
    return pl.pallas_call(
        _ffn_body,
        grid_spec=grid_spec,
        out_shape=jax.ShapeDtypeStruct((P, H), jnp.float32),
        compiler_params=pltpu.CompilerParams(
            vmem_limit_bytes=100 * 1024 * 1024),
    )(bexp, xs, wfc, wpj)


def _combine_body(o_hbm, p0_hbm, p1_hbm, oa_hbm, ob_hbm,
                  abuf, bbuf, i0, i1, sem):
    wid = lax.axis_index("s") * NC + lax.axis_index("c")
    base = wid * TPW
    for k in range(TPW // CH2):
        tok = base + k * CH2
        pltpu.sync_copy(p0_hbm.at[pl.ds(tok, CH2)], i0)
        pltpu.sync_copy(p1_hbm.at[pl.ds(tok, CH2)], i1)
        da = pltpu.async_copy(o_hbm.at[i0], abuf, sem)
        db = pltpu.async_copy(o_hbm.at[i1], bbuf, sem)
        da.wait()
        db.wait()
        pltpu.sync_copy(abuf, oa_hbm.at[pl.ds(tok, CH2)])
        pltpu.sync_copy(bbuf, ob_hbm.at[pl.ds(tok, CH2)])


def _combine(o, p0, p1):
    mesh = plsc.VectorSubcoreMesh(core_axis_name="c", subcore_axis_name="s")
    f = pl.kernel(
        _combine_body,
        out_type=(
            jax.ShapeDtypeStruct((NT, H), jnp.float32),
            jax.ShapeDtypeStruct((NT, H), jnp.float32),
        ),
        mesh=mesh,
        scratch_types=[
            pltpu.VMEM((CH2, H), jnp.float32),
            pltpu.VMEM((CH2, H), jnp.float32),
            pltpu.VMEM((CH2,), jnp.int32),
            pltpu.VMEM((CH2,), jnp.int32),
            pltpu.SemaphoreType.DMA,
        ],
    )
    return f(o, p0, p1)


def _add_body(a_ref, b_ref, ga_ref, gb_ref, o_ref):
    o_ref[...] = a_ref[...] * ga_ref[...] + b_ref[...] * gb_ref[...]


def _add(a, b, ga, gb):
    return pl.pallas_call(
        _add_body,
        grid=(NT // 256,),
        in_specs=[pl.BlockSpec((256, H), lambda i: (i, 0)),
                  pl.BlockSpec((256, H), lambda i: (i, 0)),
                  pl.BlockSpec((256, 1), lambda i: (i, 0)),
                  pl.BlockSpec((256, 1), lambda i: (i, 0))],
        out_specs=pl.BlockSpec((256, H), lambda i: (i, 0)),
        out_shape=jax.ShapeDtypeStruct((NT, H), jnp.float32),
    )(a, b, ga, gb)


def kernel(hidden_states, gate_w, w_fc, w_proj):
    Bs, Ss, Hs = hidden_states.shape
    x = hidden_states.reshape(-1, Hs)
    gate_t = gate_w.T
    r = jnp.arange(E)
    mexcl = (r[:, None] < r[None, :]).astype(jnp.float32)
    logits, pos0, pos1, g0, g1, bexp = _router(x, gate_t, mexcl)
    p0 = pos0.reshape(NT)
    p1 = pos1.reshape(NT)
    xs = _dispatch(x, p0, p1)
    o = _ffn(bexp.reshape(NB), xs, w_fc, w_proj)
    oa, ob = _combine(o, p0, p1)
    out = _add(oa, ob, g0, g1).reshape(Bs, Ss, Hs)
    return out, logits

# --- scband reference (transcript-rebuilt; emitter-appended) ---
"""Pipeline reference for scband-sparse-mo-e-18176301597238 (READ-ONLY COPY).

The authoritative reference and input builder live on the scoring server;
editing this copy changes nothing except your own understanding.
"""

import jax, jax.numpy as jnp
import numpy as np

E = 8
TOP_K = 2
H = 1024
FF = 4096
B = 2
S = 2048


def setup_inputs(seed: int = 0) -> dict:
    key = jax.random.key(seed)
    k1, k2, k3, k4 = jax.random.split(key, 4)
    hidden_states = jax.random.normal(k1, (B, S, H), dtype=jnp.float32)
    gate_w = jax.random.normal(k2, (E, H), dtype=jnp.float32) * 0.02
    w_fc = jax.random.normal(k3, (E, FF, H), dtype=jnp.float32) * 0.02
    w_proj = jax.random.normal(k4, (E, H, FF), dtype=jnp.float32) * (0.02 / np.sqrt(2 * 24))
    return {"hidden_states": hidden_states, "gate_w": gate_w, "w_fc": w_fc, "w_proj": w_proj}


def reference(hidden_states, gate_w, w_fc, w_proj):
    Bs, Ss, Hs = hidden_states.shape
    x = hidden_states.reshape(-1, Hs)
    total_q = x.shape[0]
    # gate: ParameterizedLinear (no bias)
    router_logits = x @ gate_w.T
    # softmax over all experts in float32, then top-k
    probs = jax.nn.softmax(router_logits.astype(jnp.float32), axis=-1)
    router_weights, selected_experts = jax.lax.top_k(probs, TOP_K)
    # normalize_expert_weights = False in this config
    router_weights = router_weights.astype(x.dtype)
    # _something: sort flattened expert assignments to group tokens by expert
    flat = selected_experts.reshape(-1)
    index_sorted_experts = jnp.argsort(flat)  # stable by default in jax
    batch_index = index_sorted_experts // TOP_K
    batch_gates = router_weights.reshape(-1)[index_sorted_experts]
    sorted_experts = flat[index_sorted_experts]
    # dispatch: gather tokens grouped by expert
    expert_inputs = x[batch_index]
    # c_fc: per-expert linear (row-masked per-expert matmuls, each row handled by exactly one expert)
    h = jnp.zeros((expert_inputs.shape[0], w_fc.shape[1]), dtype=x.dtype)
    for i in range(E):
        mask = (sorted_experts == i)[:, None]
        h = h + jnp.where(mask, expert_inputs @ w_fc[i].T, 0.0)
    h = jax.nn.gelu(h, approximate=False)
    # c_proj: per-expert linear
    o = jnp.zeros((h.shape[0], Hs), dtype=h.dtype)
    for i in range(E):
        mask = (sorted_experts == i)[:, None]
        o = o + jnp.where(mask, h @ w_proj[i].T, 0.0)
    o = o * batch_gates[:, None]
    # combine: index_add back into token order
    out = jnp.zeros((total_q, Hs), dtype=o.dtype).at[batch_index].add(o)
    out = out.reshape(Bs, Ss, Hs)
    return out, router_logits

if __name__ == "__main__":
    import jax
    _d = setup_inputs()
    print(jax.jit(kernel)(*tuple(_d.values())))

</pallas_src>

<mosaic_0001>
#map = affine_map<(d0, d1) -> (0, 0)>
#map1 = affine_map<(d0, d1) -> (0)>
module attributes {stable_mosaic.version = 14 : i64} {
  func.func @_combine_body(%arg0: i32, %arg1: i32, %arg2: memref<9216x1024xf32, #tpu.memory_space<hbm>>, %arg3: memref<4096xi32, #tpu.memory_space<hbm>>, %arg4: memref<4096xi32, #tpu.memory_space<hbm>>, %arg5: memref<4096x1024xf32, #tpu.memory_space<hbm>>, %arg6: memref<4096x1024xf32, #tpu.memory_space<hbm>>, %arg7: memref<32x1024xf32, #tpu.memory_space<vmem>>, %arg8: memref<32x1024xf32, #tpu.memory_space<vmem>>, %arg9: memref<32xi32, #tpu.memory_space<vmem>>, %arg10: memref<32xi32, #tpu.memory_space<vmem>>, %arg11: memref<!tpu.dma_semaphore, #tpu.memory_space<semaphore_mem>>) attributes {dimension_semantics = [#tpu.dimension_semantics<core_parallel>, #tpu.dimension_semantics<subcore_parallel>], iteration_bounds = array<i64: 2, 16>, scalar_prefetch = 0 : i64, scratch_operands = 5 : i64, tpu.core_type = #tpu.core_type<sc_vector_subcore>, window_params = [{transform_indices = #map}, {transform_indices = #map1}, {transform_indices = #map1}, {transform_indices = #map}, {transform_indices = #map}]} {
    %mul3A = arith.constant 2 : i32
    %mul3A_0 = arith.muli %arg1, %mul3A : i32
    %add3A = arith.addi %mul3A_0, %arg0 : i32
    %mul3A_1 = arith.constant 128 : i32
    %mul3A_2 = arith.muli %add3A, %mul3A_1 : i32
    %add3A_3 = arith.constant 0 : i32
    %add3A_4 = arith.addi %mul3A_2, %add3A_3 : i32
    "tpu.region"() ({
      %run_scoped3A = tpu.sem_alloc : memref<!tpu.dma_semaphore, #tpu.memory_space<semaphore_mem>>
      %dma_start3A_57 = tpu.memref_slice %arg3[%add3A_4] : memref<4096xi32, #tpu.memory_space<hbm>> -> memref<32xi32, #tpu.memory_space<hbm>>
      %dma_start3A_58 = tpu.memref_slice %arg3[%add3A_4] : memref<4096xi32, #tpu.memory_space<hbm>> -> memref<32xi32, #tpu.memory_space<hbm>>
      tpu.enqueue_dma source(%dma_start3A_58 : memref<32xi32, #tpu.memory_space<hbm>>) target(%arg9 : memref<32xi32, #tpu.memory_space<vmem>>) target_semaphore(%run_scoped3A : memref<!tpu.dma_semaphore, #tpu.memory_space<semaphore_mem>>)
      %dma_wait3A_59 = tpu.memref_slice %arg3[%add3A_4] : memref<4096xi32, #tpu.memory_space<hbm>> -> memref<32xi32, #tpu.memory_space<hbm>>
      %dma_wait3A_60 = tpu.memref_slice %arg3[%add3A_4] : memref<4096xi32, #tpu.memory_space<hbm>> -> memref<32xi32, #tpu.memory_space<hbm>>
      tpu.wait_dma2 semaphore(%run_scoped3A : memref<!tpu.dma_semaphore, #tpu.memory_space<semaphore_mem>>) src(%dma_wait3A_60 : memref<32xi32, #tpu.memory_space<hbm>>) dst(%arg9 : memref<32xi32, #tpu.memory_space<vmem>>)
      tpu.yield
    }) : () -> ()
    "tpu.region"() ({
      %run_scoped3A = tpu.sem_alloc : memref<!tpu.dma_semaphore, #tpu.memory_space<semaphore_mem>>
      %dma_start3A_57 = tpu.memref_slice %arg4[%add3A_4] : memref<4096xi32, #tpu.memory_space<hbm>> -> memref<32xi32, #tpu.memory_space<hbm>>
      %dma_start3A_58 = tpu.memref_slice %arg4[%add3A_4] : memref<4096xi32, #tpu.memory_space<hbm>> -> memref<32xi32, #tpu.memory_space<hbm>>
      tpu.enqueue_dma source(%dma_start3A_58 : memref<32xi32, #tpu.memory_space<hbm>>) target(%arg10 : memref<32xi32, #tpu.memory_space<vmem>>) target_semaphore(%run_scoped3A : memref<!tpu.dma_semaphore, #tpu.memory_space<semaphore_mem>>)
      %dma_wait3A_59 = tpu.memref_slice %arg4[%add3A_4] : memref<4096xi32, #tpu.memory_space<hbm>> -> memref<32xi32, #tpu.memory_space<hbm>>
      %dma_wait3A_60 = tpu.memref_slice %arg4[%add3A_4] : memref<4096xi32, #tpu.memory_space<hbm>> -> memref<32xi32, #tpu.memory_space<hbm>>
      tpu.wait_dma2 semaphore(%run_scoped3A : memref<!tpu.dma_semaphore, #tpu.memory_space<semaphore_mem>>) src(%dma_wait3A_60 : memref<32xi32, #tpu.memory_space<hbm>>) dst(%arg10 : memref<32xi32, #tpu.memory_space<vmem>>)
      tpu.yield
    }) : () -> ()
    %dma_start3A = arith.constant 0 : i32
    %dma_start3A_5 = arith.constant 0 : i32
    %dma_start3A_6 = tpu.memref_slice %arg2[%dma_start3A, %dma_start3A_5] : memref<9216x1024xf32, #tpu.memory_space<hbm>> -> memref<9216x1024xf32, #tpu.memory_space<hbm>>
    tpu.enqueue_indirect_dma source(%dma_start3A_6 : memref<9216x1024xf32, #tpu.memory_space<hbm>>) target(%arg7 : memref<32x1024xf32, #tpu.memory_space<vmem>>) offsets(%arg9 : memref<32xi32, #tpu.memory_space<vmem>>) semaphore(%arg11 : memref<!tpu.dma_semaphore, #tpu.memory_space<semaphore_mem>>)
    %dma_start3A_7 = arith.constant 0 : i32
    %dma_start3A_8 = arith.constant 0 : i32
    %dma_start3A_9 = tpu.memref_slice %arg2[%dma_start3A_7, %dma_start3A_8] : memref<9216x1024xf32, #tpu.memory_space<hbm>> -> memref<9216x1024xf32, #tpu.memory_space<hbm>>
    tpu.enqueue_indirect_dma source(%dma_start3A_9 : memref<9216x1024xf32, #tpu.memory_space<hbm>>) target(%arg8 : memref<32x1024xf32, #tpu.memory_space<vmem>>) offsets(%arg10 : memref<32xi32, #tpu.memory_space<vmem>>) semaphore(%arg11 : memref<!tpu.dma_semaphore, #tpu.memory_space<semaphore_mem>>)
    %dma_wait3A = arith.constant 0 : i32
    %dma_wait3A_10 = arith.constant 0 : i32
    %dma_wait3A_11 = tpu.memref_slice %arg2[%dma_wait3A, %dma_wait3A_10] : memref<9216x1024xf32, #tpu.memory_space<hbm>> -> memref<9216x1024xf32, #tpu.memory_space<hbm>>
    tpu.wait_indirect_dma semaphore(%arg11 : memref<!tpu.dma_semaphore, #tpu.memory_space<semaphore_mem>>) src(%dma_wait3A_11 : memref<9216x1024xf32, #tpu.memory_space<hbm>>) dst(%arg7 : memref<32x1024xf32, #tpu.memory_space<vmem>>)
    %dma_wait3A_12 = arith.constant 0 : i32
    %dma_wait3A_13 = arith.constant 0 : i32
    %dma_wait3A_14 = tpu.memref_slice %arg2[%dma_wait3A_12, %dma_wait3A_13] : memref<9216x1024xf32, #tpu.memory_space<hbm>> -> memref<9216x1024xf32, #tpu.memory_space<hbm>>
    tpu.wait_indirect_dma semaphore(%arg11 : memref<!tpu.dma_semaphore, #tpu.memory_space<semaphore_mem>>) src(%dma_wait3A_14 : memref<9216x1024xf32, #tpu.memory_space<hbm>>) dst(%arg8 : memref<32x1024xf32, #tpu.memory_space<vmem>>)
    "tpu.region"() ({
      %run_scoped3A = tpu.sem_alloc : memref<!tpu.dma_semaphore, #tpu.memory_space<semaphore_mem>>
      %dma_start3A_57 = arith.constant 0 : i32
      %dma_start3A_58 = tpu.memref_slice %arg5[%add3A_4, %dma_start3A_57] : memref<4096x1024xf32, #tpu.memory_space<hbm>> -> memref<32x1024xf32, #tpu.memory_space<hbm>>
      %dma_start3A_59 = arith.constant 0 : i32
      %dma_start3A_60 = tpu.memref_slice %arg5[%add3A_4, %dma_start3A_59] : memref<4096x1024xf32, #tpu.memory_space<hbm>> -> memref<32x1024xf32, #tpu.memory_space<hbm>>
      tpu.enqueue_dma source(%arg7 : memref<32x1024xf32, #tpu.memory_space<vmem>>) target(%dma_start3A_60 : memref<32x1024xf32, #tpu.memory_space<hbm>>) target_semaphore(%run_scoped3A : memref<!tpu.dma_semaphore, #tpu.memory_space<semaphore_mem>>)
      %dma_wait3A_61 = arith.constant 0 : i32
      %dma_wait3A_62 = tpu.memref_slice %arg5[%add3A_4, %dma_wait3A_61] : memref<4096x1024xf32, #tpu.memory_space<hbm>> -> memref<32x1024xf32, #tpu.memory_space<hbm>>
      %dma_wait3A_63 = arith.constant 0 : i32
      %dma_wait3A_64 = tpu.memref_slice %arg5[%add3A_4, %dma_wait3A_63] : memref<4096x1024xf32, #tpu.memory_space<hbm>> -> memref<32x1024xf32, #tpu.memory_space<hbm>>
      tpu.wait_dma2 semaphore(%run_scoped3A : memref<!tpu.dma_semaphore, #tpu.memory_space<semaphore_mem>>) src(%arg7 : memref<32x1024xf32, #tpu.memory_space<vmem>>) dst(%dma_wait3A_64 : memref<32x1024xf32, #tpu.memory_space<hbm>>)
      tpu.yield
    }) : () -> ()
    "tpu.region"() ({
      %run_scoped3A = tpu.sem_alloc : memref<!tpu.dma_semaphore, #tpu.memory_space<semaphore_mem>>
      %dma_start3A_57 = arith.constant 0 : i32
      %dma_start3A_58 = tpu.memref_slice %arg6[%add3A_4, %dma_start3A_57] : memref<4096x1024xf32, #tpu.memory_space<hbm>> -> memref<32x1024xf32, #tpu.memory_space<hbm>>
      %dma_start3A_59 = arith.constant 0 : i32
      %dma_start3A_60 = tpu.memref_slice %arg6[%add3A_4, %dma_start3A_59] : memref<4096x1024xf32, #tpu.memory_space<hbm>> -> memref<32x1024xf32, #tpu.memory_space<hbm>>
      tpu.enqueue_dma source(%arg8 : memref<32x1024xf32, #tpu.memory_space<vmem>>) target(%dma_start3A_60 : memref<32x1024xf32, #tpu.memory_space<hbm>>) target_semaphore(%run_scoped3A : memref<!tpu.dma_semaphore, #tpu.memory_space<semaphore_mem>>)
      %dma_wait3A_61 = arith.constant 0 : i32
      %dma_wait3A_62 = tpu.memref_slice %arg6[%add3A_4, %dma_wait3A_61] : memref<4096x1024xf32, #tpu.memory_space<hbm>> -> memref<32x1024xf32, #tpu.memory_space<hbm>>
      %dma_wait3A_63 = arith.constant 0 : i32
      %dma_wait3A_64 = tpu.memref_slice %arg6[%add3A_4, %dma_wait3A_63] : memref<4096x1024xf32, #tpu.memory_space<hbm>> -> memref<32x1024xf32, #tpu.memory_space<hbm>>
      tpu.wait_dma2 semaphore(%run_scoped3A : memref<!tpu.dma_semaphore, #tpu.memory_space<semaphore_mem>>) src(%arg8 : memref<32x1024xf32, #tpu.memory_space<vmem>>) dst(%dma_wait3A_64 : memref<32x1024xf32, #tpu.memory_space<hbm>>)
      tpu.yield
    }) : () -> ()
    %add3A_15 = arith.constant 32 : i32
    %add3A_16 = arith.addi %mul3A_2, %add3A_15 : i32
    "tpu.region"() ({
      %run_scoped3A = tpu.sem_alloc : memref<!tpu.dma_semaphore, #tpu.memory_space<semaphore_mem>>
      %dma_start3A_57 = tpu.memref_slice %arg3[%add3A_16] : memref<4096xi32, #tpu.memory_space<hbm>> -> memref<32xi32, #tpu.memory_space<hbm>>
      %dma_start3A_58 = tpu.memref_slice %arg3[%add3A_16] : memref<4096xi32, #tpu.memory_space<hbm>> -> memref<32xi32, #tpu.memory_space<hbm>>
      tpu.enqueue_dma source(%dma_start3A_58 : memref<32xi32, #tpu.memory_space<hbm>>) target(%arg9 : memref<32xi32, #tpu.memory_space<vmem>>) target_semaphore(%run_scoped3A : memref<!tpu.dma_semaphore, #tpu.memory_space<semaphore_mem>>)
      %dma_wait3A_59 = tpu.memref_slice %arg3[%add3A_16] : memref<4096xi32, #tpu.memory_space<hbm>> -> memref<32xi32, #tpu.memory_space<hbm>>
      %dma_wait3A_60 = tpu.memref_slice %arg3[%add3A_16] : memref<4096xi32, #tpu.memory_space<hbm>> -> memref<32xi32, #tpu.memory_space<hbm>>
      tpu.wait_dma2 semaphore(%run_scoped3A : memref<!tpu.dma_semaphore, #tpu.memory_space<semaphore_mem>>) src(%dma_wait3A_60 : memref<32xi32, #tpu.memory_space<hbm>>) dst(%arg9 : memref<32xi32, #tpu.memory_space<vmem>>)
      tpu.yield
    }) : () -> ()
    "tpu.region"() ({
      %run_scoped3A = tpu.sem_alloc : memref<!tpu.dma_semaphore, #tpu.memory_space<semaphore_mem>>
      %dma_start3A_57 = tpu.memref_slice %arg4[%add3A_16] : memref<4096xi32, #tpu.memory_space<hbm>> -> memref<32xi32, #tpu.memory_space<hbm>>
      %dma_start3A_58 = tpu.memref_slice %arg4[%add3A_16] : memref<4096xi32, #tpu.memory_space<hbm>> -> memref<32xi32, #tpu.memory_space<hbm>>
      tpu.enqueue_dma source(%dma_start3A_58 : memref<32xi32, #tpu.memory_space<hbm>>) target(%arg10 : memref<32xi32, #tpu.memory_space<vmem>>) target_semaphore(%run_scoped3A : memref<!tpu.dma_semaphore, #tpu.memory_space<semaphore_mem>>)
      %dma_wait3A_59 = tpu.memref_slice %arg4[%add3A_16] : memref<4096xi32, #tpu.memory_space<hbm>> -> memref<32xi32, #tpu.memory_space<hbm>>
      %dma_wait3A_60 = tpu.memref_slice %arg4[%add3A_16] : memref<4096xi32, #tpu.memory_space<hbm>> -> memref<32xi32, #tpu.memory_space<hbm>>
      tpu.wait_dma2 semaphore(%run_scoped3A : memref<!tpu.dma_semaphore, #tpu.memory_space<semaphore_mem>>) src(%dma_wait3A_60 : memref<32xi32, #tpu.memory_space<hbm>>) dst(%arg10 : memref<32xi32, #tpu.memory_space<vmem>>)
      tpu.yield
    }) : () -> ()
    %dma_start3A_17 = arith.constant 0 : i32
    %dma_start3A_18 = arith.constant 0 : i32
    %dma_start3A_19 = tpu.memref_slice %arg2[%dma_start3A_17, %dma_start3A_18] : memref<9216x1024xf32, #tpu.memory_space<hbm>> -> memref<9216x1024xf32, #tpu.memory_space<hbm>>
    tpu.enqueue_indirect_dma source(%dma_start3A_19 : memref<9216x1024xf32, #tpu.memory_space<hbm>>) target(%arg7 : memref<32x1024xf32, #tpu.memory_space<vmem>>) offsets(%arg9 : memref<32xi32, #tpu.memory_space<vmem>>) semaphore(%arg11 : memref<!tpu.dma_semaphore, #tpu.memory_space<semaphore_mem>>)
    %dma_start3A_20 = arith.constant 0 : i32
    %dma_start3A_21 = arith.constant 0 : i32
    %dma_start3A_22 = tpu.memref_slice %arg2[%dma_start3A_20, %dma_start3A_21] : memref<9216x1024xf32, #tpu.memory_space<hbm>> -> memref<9216x1024xf32, #tpu.memory_space<hbm>>
    tpu.enqueue_indirect_dma source(%dma_start3A_22 : memref<9216x1024xf32, #tpu.memory_space<hbm>>) target(%arg8 : memref<32x1024xf32, #tpu.memory_space<vmem>>) offsets(%arg10 : memref<32xi32, #tpu.memory_space<vmem>>) semaphore(%arg11 : memref<!tpu.dma_semaphore, #tpu.memory_space<semaphore_mem>>)
    %dma_wait3A_23 = arith.constant 0 : i32
    %dma_wait3A_24 = arith.constant 0 : i32
    %dma_wait3A_25 = tpu.memref_slice %arg2[%dma_wait3A_23, %dma_wait3A_24] : memref<9216x1024xf32, #tpu.memory_space<hbm>> -> memref<9216x1024xf32, #tpu.memory_space<hbm>>
    tpu.wait_indirect_dma semaphore(%arg11 : memref<!tpu.dma_semaphore, #tpu.memory_space<semaphore_mem>>) src(%dma_wait3A_25 : memref<9216x1024xf32, #tpu.memory_space<hbm>>) dst(%arg7 : memref<32x1024xf32, #tpu.memory_space<vmem>>)
    %dma_wait3A_26 = arith.constant 0 : i32
    %dma_wait3A_27 = arith.constant 0 : i32
    %dma_wait3A_28 = tpu.memref_slice %arg2[%dma_wait3A_26, %dma_wait3A_27] : memref<9216x1024xf32, #tpu.memory_space<hbm>> -> memref<9216x1024xf32, #tpu.memory_space<hbm>>
    tpu.wait_indirect_dma semaphore(%arg11 : memref<!tpu.dma_semaphore, #tpu.memory_space<semaphore_mem>>) src(%dma_wait3A_28 : memref<9216x1024xf32, #tpu.memory_space<hbm>>) dst(%arg8 : memref<32x1024xf32, #tpu.memory_space<vmem>>)
    "tpu.region"() ({
      %run_scoped3A = tpu.sem_alloc : memref<!tpu.dma_semaphore, #tpu.memory_space<semaphore_mem>>
      %dma_start3A_57 = arith.constant 0 : i32
      %dma_start3A_58 = tpu.memref_slice %arg5[%add3A_16, %dma_start3A_57] : memref<4096x1024xf32, #tpu.memory_space<hbm>> -> memref<32x1024xf32, #tpu.memory_space<hbm>>
      %dma_start3A_59 = arith.constant 0 : i32
      %dma_start3A_60 = tpu.memref_slice %arg5[%add3A_16, %dma_start3A_59] : memref<4096x1024xf32, #tpu.memory_space<hbm>> -> memref<32x1024xf32, #tpu.memory_space<hbm>>
      tpu.enqueue_dma source(%arg7 : memref<32x1024xf32, #tpu.memory_space<vmem>>) target(%dma_start3A_60 : memref<32x1024xf32, #tpu.memory_space<hbm>>) target_semaphore(%run_scoped3A : memref<!tpu.dma_semaphore, #tpu.memory_space<semaphore_mem>>)
      %dma_wait3A_61 = arith.constant 0 : i32
      %dma_wait3A_62 = tpu.memref_slice %arg5[%add3A_16, %dma_wait3A_61] : memref<4096x1024xf32, #tpu.memory_space<hbm>> -> memref<32x1024xf32, #tpu.memory_space<hbm>>
      %dma_wait3A_63 = arith.constant 0 : i32
      %dma_wait3A_64 = tpu.memref_slice %arg5[%add3A_16, %dma_wait3A_63] : memref<4096x1024xf32, #tpu.memory_space<hbm>> -> memref<32x1024xf32, #tpu.memory_space<hbm>>
      tpu.wait_dma2 semaphore(%run_scoped3A : memref<!tpu.dma_semaphore, #tpu.memory_space<semaphore_mem>>) src(%arg7 : memref<32x1024xf32, #tpu.memory_space<vmem>>) dst(%dma_wait3A_64 : memref<32x1024xf32, #tpu.memory_space<hbm>>)
      tpu.yield
    }) : () -> ()
    "tpu.region"() ({
      %run_scoped3A = tpu.sem_alloc : memref<!tpu.dma_semaphore, #tpu.memory_space<semaphore_mem>>
      %dma_start3A_57 = arith.constant 0 : i32
      %dma_start3A_58 = tpu.memref_slice %arg6[%add3A_16, %dma_start3A_57] : memref<4096x1024xf32, #tpu.memory_space<hbm>> -> memref<32x1024xf32, #tpu.memory_space<hbm>>
      %dma_start3A_59 = arith.constant 0 : i32
      %dma_start3A_60 = tpu.memref_slice %arg6[%add3A_16, %dma_start3A_59] : memref<4096x1024xf32, #tpu.memory_space<hbm>> -> memref<32x1024xf32, #tpu.memory_space<hbm>>
      tpu.enqueue_dma source(%arg8 : memref<32x1024xf32, #tpu.memory_space<vmem>>) target(%dma_start3A_60 : memref<32x1024xf32, #tpu.memory_space<hbm>>) target_semaphore(%run_scoped3A : memref<!tpu.dma_semaphore, #tpu.memory_space<semaphore_mem>>)
      %dma_wait3A_61 = arith.constant 0 : i32
      %dma_wait3A_62 = tpu.memref_slice %arg6[%add3A_16, %dma_wait3A_61] : memref<4096x1024xf32, #tpu.memory_space<hbm>> -> memref<32x1024xf32, #tpu.memory_space<hbm>>
      %dma_wait3A_63 = arith.constant 0 : i32
      %dma_wait3A_64 = tpu.memref_slice %arg6[%add3A_16, %dma_wait3A_63] : memref<4096x1024xf32, #tpu.memory_space<hbm>> -> memref<32x1024xf32, #tpu.memory_space<hbm>>
      tpu.wait_dma2 semaphore(%run_scoped3A : memref<!tpu.dma_semaphore, #tpu.memory_space<semaphore_mem>>) src(%arg8 : memref<32x1024xf32, #tpu.memory_space<vmem>>) dst(%dma_wait3A_64 : memref<32x1024xf32, #tpu.memory_space<hbm>>)
      tpu.yield
    }) : () -> ()
    %add3A_29 = arith.constant 64 : i32
    %add3A_30 = arith.addi %mul3A_2, %add3A_29 : i32
    "tpu.region"() ({
      %run_scoped3A = tpu.sem_alloc : memref<!tpu.dma_semaphore, #tpu.memory_space<semaphore_mem>>
      %dma_start3A_57 = tpu.memref_slice %arg3[%add3A_30] : memref<4096xi32, #tpu.memory_space<hbm>> -> memref<32xi32, #tpu.memory_space<hbm>>
      %dma_start3A_58 = tpu.memref_slice %arg3[%add3A_30] : memref<4096xi32, #tpu.memory_space<hbm>> -> memref<32xi32, #tpu.memory_space<hbm>>
      tpu.enqueue_dma source(%dma_start3A_58 : memref<32xi32, #tpu.memory_space<hbm>>) target(%arg9 : memref<32xi32, #tpu.memory_space<vmem>>) target_semaphore(%run_scoped3A : memref<!tpu.dma_semaphore, #tpu.memory_space<semaphore_mem>>)
      %dma_wait3A_59 = tpu.memref_slice %arg3[%add3A_30] : memref<4096xi32, #tpu.memory_space<hbm>> -> memref<32xi32, #tpu.memory_space<hbm>>
      %dma_wait3A_60 = tpu.memref_slice %arg3[%add3A_30] : memref<4096xi32, #tpu.memory_space<hbm>> -> memref<32xi32, #tpu.memory_space<hbm>>
      tpu.wait_dma2 semaphore(%run_scoped3A : memref<!tpu.dma_semaphore, #tpu.memory_space<semaphore_mem>>) src(%dma_wait3A_60 : memref<32xi32, #tpu.memory_space<hbm>>) dst(%arg9 : memref<32xi32, #tpu.memory_space<vmem>>)
      tpu.yield
    }) : () -> ()
    "tpu.region"() ({
      %run_scoped3A = tpu.sem_alloc : memref<!tpu.dma_semaphore, #tpu.memory_space<semaphore_mem>>
      %dma_start3A_57 = tpu.memref_slice %arg4[%add3A_30] : memref<4096xi32, #tpu.memory_space<hbm>> -> memref<32xi32, #tpu.memory_space<hbm>>
      %dma_start3A_58 = tpu.memref_slice %arg4[%add3A_30] : memref<4096xi32, #tpu.memory_space<hbm>> -> memref<32xi32, #tpu.memory_space<hbm>>
      tpu.enqueue_dma source(%dma_start3A_58 : memref<32xi32, #tpu.memory_space<hbm>>) target(%arg10 : memref<32xi32, #tpu.memory_space<vmem>>) target_semaphore(%run_scoped3A : memref<!tpu.dma_semaphore, #tpu.memory_space<semaphore_mem>>)
      %dma_wait3A_59 = tpu.memref_slice %arg4[%add3A_30] : memref<4096xi32, #tpu.memory_space<hbm>> -> memref<32xi32, #tpu.memory_space<hbm>>
      %dma_wait3A_60 = tpu.memref_slice %arg4[%add3A_30] : memref<4096xi32, #tpu.memory_space<hbm>> -> memref<32xi32, #tpu.memory_space<hbm>>
      tpu.wait_dma2 semaphore(%run_scoped3A : memref<!tpu.dma_semaphore, #tpu.memory_space<semaphore_mem>>) src(%dma_wait3A_60 : memref<32xi32, #tpu.memory_space<hbm>>) dst(%arg10 : memref<32xi32, #tpu.memory_space<vmem>>)
      tpu.yield
    }) : () -> ()
    %dma_start3A_31 = arith.constant 0 : i32
    %dma_start3A_32 = arith.constant 0 : i32
    %dma_start3A_33 = tpu.memref_slice %arg2[%dma_start3A_31, %dma_start3A_32] : memref<9216x1024xf32, #tpu.memory_space<hbm>> -> memref<9216x1024xf32, #tpu.memory_space<hbm>>
    tpu.enqueue_indirect_dma source(%dma_start3A_33 : memref<9216x1024xf32, #tpu.memory_space<hbm>>) target(%arg7 : memref<32x1024xf32, #tpu.memory_space<vmem>>) offsets(%arg9 : memref<32xi32, #tpu.memory_space<vmem>>) semaphore(%arg11 : memref<!tpu.dma_semaphore, #tpu.memory_space<semaphore_mem>>)
    %dma_start3A_34 = arith.constant 0 : i32
    %dma_start3A_35 = arith.constant 0 : i32
    %dma_start3A_36 = tpu.memref_slice %arg2[%dma_start3A_34, %dma_start3A_35] : memref<9216x1024xf32, #tpu.memory_space<hbm>> -> memref<9216x1024xf32, #tpu.memory_space<hbm>>
    tpu.enqueue_indirect_dma source(%dma_start3A_36 : memref<9216x1024xf32, #tpu.memory_space<hbm>>) target(%arg8 : memref<32x1024xf32, #tpu.memory_space<vmem>>) offsets(%arg10 : memref<32xi32, #tpu.memory_space<vmem>>) semaphore(%arg11 : memref<!tpu.dma_semaphore, #tpu.memory_space<semaphore_mem>>)
    %dma_wait3A_37 = arith.constant 0 : i32
    %dma_wait3A_38 = arith.constant 0 : i32
    %dma_wait3A_39 = tpu.memref_slice %arg2[%dma_wait3A_37, %dma_wait3A_38] : memref<9216x1024xf32, #tpu.memory_space<hbm>> -> memref<9216x1024xf32, #tpu.memory_space<hbm>>
    tpu.wait_indirect_dma semaphore(%arg11 : memref<!tpu.dma_semaphore, #tpu.memory_space<semaphore_mem>>) src(%dma_wait3A_39 : memref<9216x1024xf32, #tpu.memory_space<hbm>>) dst(%arg7 : memref<32x1024xf32, #tpu.memory_space<vmem>>)
    %dma_wait3A_40 = arith.constant 0 : i32
    %dma_wait3A_41 = arith.constant 0 : i32
    %dma_wait3A_42 = tpu.memref_slice %arg2[%dma_wait3A_40, %dma_wait3A_41] : memref<9216x1024xf32, #tpu.memory_space<hbm>> -> memref<9216x1024xf32, #tpu.memory_space<hbm>>
    tpu.wait_indirect_dma semaphore(%arg11 : memref<!tpu.dma_semaphore, #tpu.memory_space<semaphore_mem>>) src(%dma_wait3A_42 : memref<9216x1024xf32, #tpu.memory_space<hbm>>) dst(%arg8 : memref<32x1024xf32, #tpu.memory_space<vmem>>)
    "tpu.region"() ({
      %run_scoped3A = tpu.sem_alloc : memref<!tpu.dma_semaphore, #tpu.memory_space<semaphore_mem>>
      %dma_start3A_57 = arith.constant 0 : i32
      %dma_start3A_58 = tpu.memref_slice %arg5[%add3A_30, %dma_start3A_57] : memref<4096x1024xf32, #tpu.memory_space<hbm>> -> memref<32x1024xf32, #tpu.memory_space<hbm>>
      %dma_start3A_59 = arith.constant 0 : i32
      %dma_start3A_60 = tpu.memref_slice %arg5[%add3A_30, %dma_start3A_59] : memref<4096x1024xf32, #tpu.memory_space<hbm>> -> memref<32x1024xf32, #tpu.memory_space<hbm>>
      tpu.enqueue_dma source(%arg7 : memref<32x1024xf32, #tpu.memory_space<vmem>>) target(%dma_start3A_60 : memref<32x1024xf32, #tpu.memory_space<hbm>>) target_semaphore(%run_scoped3A : memref<!tpu.dma_semaphore, #tpu.memory_space<semaphore_mem>>)
      %dma_wait3A_61 = arith.constant 0 : i32
      %dma_wait3A_62 = tpu.memref_slice %arg5[%add3A_30, %dma_wait3A_61] : memref<4096x1024xf32, #tpu.memory_space<hbm>> -> memref<32x1024xf32, #tpu.memory_space<hbm>>
      %dma_wait3A_63 = arith.constant 0 : i32
      %dma_wait3A_64 = tpu.memref_slice %arg5[%add3A_30, %dma_wait3A_63] : memref<4096x1024xf32, #tpu.memory_space<hbm>> -> memref<32x1024xf32, #tpu.memory_space<hbm>>
      tpu.wait_dma2 semaphore(%run_scoped3A : memref<!tpu.dma_semaphore, #tpu.memory_space<semaphore_mem>>) src(%arg7 : memref<32x1024xf32, #tpu.memory_space<vmem>>) dst(%dma_wait3A_64 : memref<32x1024xf32, #tpu.memory_space<hbm>>)
      tpu.yield
    }) : () -> ()
    "tpu.region"() ({
      %run_scoped3A = tpu.sem_alloc : memref<!tpu.dma_semaphore, #tpu.memory_space<semaphore_mem>>
      %dma_start3A_57 = arith.constant 0 : i32
      %dma_start3A_58 = tpu.memref_slice %arg6[%add3A_30, %dma_start3A_57] : memref<4096x1024xf32, #tpu.memory_space<hbm>> -> memref<32x1024xf32, #tpu.memory_space<hbm>>
      %dma_start3A_59 = arith.constant 0 : i32
      %dma_start3A_60 = tpu.memref_slice %arg6[%add3A_30, %dma_start3A_59] : memref<4096x1024xf32, #tpu.memory_space<hbm>> -> memref<32x1024xf32, #tpu.memory_space<hbm>>
      tpu.enqueue_dma source(%arg8 : memref<32x1024xf32, #tpu.memory_space<vmem>>) target(%dma_start3A_60 : memref<32x1024xf32, #tpu.memory_space<hbm>>) target_semaphore(%run_scoped3A : memref<!tpu.dma_semaphore, #tpu.memory_space<semaphore_mem>>)
      %dma_wait3A_61 = arith.constant 0 : i32
      %dma_wait3A_62 = tpu.memref_slice %arg6[%add3A_30, %dma_wait3A_61] : memref<4096x1024xf32, #tpu.memory_space<hbm>> -> memref<32x1024xf32, #tpu.memory_space<hbm>>
      %dma_wait3A_63 = arith.constant 0 : i32
      %dma_wait3A_64 = tpu.memref_slice %arg6[%add3A_30, %dma_wait3A_63] : memref<4096x1024xf32, #tpu.memory_space<hbm>> -> memref<32x1024xf32, #tpu.memory_space<hbm>>
      tpu.wait_dma2 semaphore(%run_scoped3A : memref<!tpu.dma_semaphore, #tpu.memory_space<semaphore_mem>>) src(%arg8 : memref<32x1024xf32, #tpu.memory_space<vmem>>) dst(%dma_wait3A_64 : memref<32x1024xf32, #tpu.memory_space<hbm>>)
      tpu.yield
    }) : () -> ()
    %add3A_43 = arith.constant 96 : i32
    %add3A_44 = arith.addi %mul3A_2, %add3A_43 : i32
    "tpu.region"() ({
      %run_scoped3A = tpu.sem_alloc : memref<!tpu.dma_semaphore, #tpu.memory_space<semaphore_mem>>
      %dma_start3A_57 = tpu.memref_slice %arg3[%add3A_44] : memref<4096xi32, #tpu.memory_space<hbm>> -> memref<32xi32, #tpu.memory_space<hbm>>
      %dma_start3A_58 = tpu.memref_slice %arg3[%add3A_44] : memref<4096xi32, #tpu.memory_space<hbm>> -> memref<32xi32, #tpu.memory_space<hbm>>
      tpu.enqueue_dma source(%dma_start3A_58 : memref<32xi32, #tpu.memory_space<hbm>>) target(%arg9 : memref<32xi32, #tpu.memory_space<vmem>>) target_semaphore(%run_scoped3A : memref<!tpu.dma_semaphore, #tpu.memory_space<semaphore_mem>>)
      %dma_wait3A_59 = tpu.memref_slice %arg3[%add3A_44] : memref<4096xi32, #tpu.memory_space<hbm>> -> memref<32xi32, #tpu.memory_space<hbm>>
      %dma_wait3A_60 = tpu.memref_slice %arg3[%add3A_44] : memref<4096xi32, #tpu.memory_space<hbm>> -> memref<32xi32, #tpu.memory_space<hbm>>
      tpu.wait_dma2 semaphore(%run_scoped3A : memref<!tpu.dma_semaphore, #tpu.memory_space<semaphore_mem>>) src(%dma_wait3A_60 : memref<32xi32, #tpu.memory_space<hbm>>) dst(%arg9 : memref<32xi32, #tpu.memory_space<vmem>>)
      tpu.yield
    }) : () -> ()
    "tpu.region"() ({
      %run_scoped3A = tpu.sem_alloc : memref<!tpu.dma_semaphore, #tpu.memory_space<semaphore_mem>>
      %dma_start3A_57 = tpu.memref_slice %arg4[%add3A_44] : memref<4096xi32, #tpu.memory_space<hbm>> -> memref<32xi32, #tpu.memory_space<hbm>>
      %dma_start3A_58 = tpu.memref_slice %arg4[%add3A_44] : memref<4096xi32, #tpu.memory_space<hbm>> -> memref<32xi32, #tpu.memory_space<hbm>>
      tpu.enqueue_dma source(%dma_start3A_58 : memref<32xi32, #tpu.memory_space<hbm>>) target(%arg10 : memref<32xi32, #tpu.memory_space<vmem>>) target_semaphore(%run_scoped3A : memref<!tpu.dma_semaphore, #tpu.memory_space<semaphore_mem>>)
      %dma_wait3A_59 = tpu.memref_slice %arg4[%add3A_44] : memref<4096xi32, #tpu.memory_space<hbm>> -> memref<32xi32, #tpu.memory_space<hbm>>
      %dma_wait3A_60 = tpu.memref_slice %arg4[%add3A_44] : memref<4096xi32, #tpu.memory_space<hbm>> -> memref<32xi32, #tpu.memory_space<hbm>>
      tpu.wait_dma2 semaphore(%run_scoped3A : memref<!tpu.dma_semaphore, #tpu.memory_space<semaphore_mem>>) src(%dma_wait3A_60 : memref<32xi32, #tpu.memory_space<hbm>>) dst(%arg10 : memref<32xi32, #tpu.memory_space<vmem>>)
      tpu.yield
    }) : () -> ()
    %dma_start3A_45 = arith.constant 0 : i32
    %dma_start3A_46 = arith.constant 0 : i32
    %dma_start3A_47 = tpu.memref_slice %arg2[%dma_start3A_45, %dma_start3A_46] : memref<9216x1024xf32, #tpu.memory_space<hbm>> -> memref<9216x1024xf32, #tpu.memory_space<hbm>>
    tpu.enqueue_indirect_dma source(%dma_start3A_47 : memref<9216x1024xf32, #tpu.memory_space<hbm>>) target(%arg7 : memref<32x1024xf32, #tpu.memory_space<vmem>>) offsets(%arg9 : memref<32xi32, #tpu.memory_space<vmem>>) semaphore(%arg11 : memref<!tpu.dma_semaphore, #tpu.memory_space<semaphore_mem>>)
    %dma_start3A_48 = arith.constant 0 : i32
    %dma_start3A_49 = arith.constant 0 : i32
    %dma_start3A_50 = tpu.memref_slice %arg2[%dma_start3A_48, %dma_start3A_49] : memref<9216x1024xf32, #tpu.memory_space<hbm>> -> memref<9216x1024xf32, #tpu.memory_space<hbm>>
    tpu.enqueue_indirect_dma source(%dma_start3A_50 : memref<9216x1024xf32, #tpu.memory_space<hbm>>) target(%arg8 : memref<32x1024xf32, #tpu.memory_space<vmem>>) offsets(%arg10 : memref<32xi32, #tpu.memory_space<vmem>>) semaphore(%arg11 : memref<!tpu.dma_semaphore, #tpu.memory_space<semaphore_mem>>)
    %dma_wait3A_51 = arith.constant 0 : i32
    %dma_wait3A_52 = arith.constant 0 : i32
    %dma_wait3A_53 = tpu.memref_slice %arg2[%dma_wait3A_51, %dma_wait3A_52] : memref<9216x1024xf32, #tpu.memory_space<hbm>> -> memref<9216x1024xf32, #tpu.memory_space<hbm>>
    tpu.wait_indirect_dma semaphore(%arg11 : memref<!tpu.dma_semaphore, #tpu.memory_space<semaphore_mem>>) src(%dma_wait3A_53 : memref<9216x1024xf32, #tpu.memory_space<hbm>>) dst(%arg7 : memref<32x1024xf32, #tpu.memory_space<vmem>>)
    %dma_wait3A_54 = arith.constant 0 : i32
    %dma_wait3A_55 = arith.constant 0 : i32
    %dma_wait3A_56 = tpu.memref_slice %arg2[%dma_wait3A_54, %dma_wait3A_55] : memref<9216x1024xf32, #tpu.memory_space<hbm>> -> memref<9216x1024xf32, #tpu.memory_space<hbm>>
    tpu.wait_indirect_dma semaphore(%arg11 : memref<!tpu.dma_semaphore, #tpu.memory_space<semaphore_mem>>) src(%dma_wait3A_56 : memref<9216x1024xf32, #tpu.memory_space<hbm>>) dst(%arg8 : memref<32x1024xf32, #tpu.memory_space<vmem>>)
    "tpu.region"() ({
      %run_scoped3A = tpu.sem_alloc : memref<!tpu.dma_semaphore, #tpu.memory_space<semaphore_mem>>
      %dma_start3A_57 = arith.constant 0 : i32
      %dma_start3A_58 = tpu.memref_slice %arg5[%add3A_44, %dma_start3A_57] : memref<4096x1024xf32, #tpu.memory_space<hbm>> -> memref<32x1024xf32, #tpu.memory_space<hbm>>
      %dma_start3A_59 = arith.constant 0 : i32
      %dma_start3A_60 = tpu.memref_slice %arg5[%add3A_44, %dma_start3A_59] : memref<4096x1024xf32, #tpu.memory_space<hbm>> -> memref<32x1024xf32, #tpu.memory_space<hbm>>
      tpu.enqueue_dma source(%arg7 : memref<32x1024xf32, #tpu.memory_space<vmem>>) target(%dma_start3A_60 : memref<32x1024xf32, #tpu.memory_space<hbm>>) target_semaphore(%run_scoped3A : memref<!tpu.dma_semaphore, #tpu.memory_space<semaphore_mem>>)
      %dma_wait3A_61 = arith.constant 0 : i32
      %dma_wait3A_62 = tpu.memref_slice %arg5[%add3A_44, %dma_wait3A_61] : memref<4096x1024xf32, #tpu.memory_space<hbm>> -> memref<32x1024xf32, #tpu.memory_space<hbm>>
      %dma_wait3A_63 = arith.constant 0 : i32
      %dma_wait3A_64 = tpu.memref_slice %arg5[%add3A_44, %dma_wait3A_63] : memref<4096x1024xf32, #tpu.memory_space<hbm>> -> memref<32x1024xf32, #tpu.memory_space<hbm>>
      tpu.wait_dma2 semaphore(%run_scoped3A : memref<!tpu.dma_semaphore, #tpu.memory_space<semaphore_mem>>) src(%arg7 : memref<32x1024xf32, #tpu.memory_space<vmem>>) dst(%dma_wait3A_64 : memref<32x1024xf32, #tpu.memory_space<hbm>>)
      tpu.yield
    }) : () -> ()
    "tpu.region"() ({
      %run_scoped3A = tpu.sem_alloc : memref<!tpu.dma_semaphore, #tpu.memory_space<semaphore_mem>>
      %dma_start3A_57 = arith.constant 0 : i32
      %dma_start3A_58 = tpu.memref_slice %arg6[%add3A_44, %dma_start3A_57] : memref<4096x1024xf32, #tpu.memory_space<hbm>> -> memref<32x1024xf32, #tpu.memory_space<hbm>>
      %dma_start3A_59 = arith.constant 0 : i32
      %dma_start3A_60 = tpu.memref_slice %arg6[%add3A_44, %dma_start3A_59] : memref<4096x1024xf32, #tpu.memory_space<hbm>> -> memref<32x1024xf32, #tpu.memory_space<hbm>>
      tpu.enqueue_dma source(%arg8 : memref<32x1024xf32, #tpu.memory_space<vmem>>) target(%dma_start3A_60 : memref<32x1024xf32, #tpu.memory_space<hbm>>) target_semaphore(%run_scoped3A : memref<!tpu.dma_semaphore, #tpu.memory_space<semaphore_mem>>)
      %dma_wait3A_61 = arith.constant 0 : i32
      %dma_wait3A_62 = tpu.memref_slice %arg6[%add3A_44, %dma_wait3A_61] : memref<4096x1024xf32, #tpu.memory_space<hbm>> -> memref<32x1024xf32, #tpu.memory_space<hbm>>
      %dma_wait3A_63 = arith.constant 0 : i32
      %dma_wait3A_64 = tpu.memref_slice %arg6[%add3A_44, %dma_wait3A_63] : memref<4096x1024xf32, #tpu.memory_space<hbm>> -> memref<32x1024xf32, #tpu.memory_space<hbm>>
      tpu.wait_dma2 semaphore(%run_scoped3A : memref<!tpu.dma_semaphore, #tpu.memory_space<semaphore_mem>>) src(%arg8 : memref<32x1024xf32, #tpu.memory_space<vmem>>) dst(%dma_wait3A_64 : memref<32x1024xf32, #tpu.memory_space<hbm>>)
      tpu.yield
    }) : () -> ()
    return
  }
}

#map = affine_map<(d0, d1) -> (0, 0)>
#map1 = affine_map<(d0, d1) -> (0)>
module attributes {stable_mosaic.version = 14 : i64} {
  func.func @_dispatch_body(%arg0: i32, %arg1: i32, %arg2: memref<4096x1024xf32, #tpu.memory_space<hbm>>, %arg3: memref<4096xi32, #tpu.memory_space<hbm>>, %arg4: memref<4096xi32, #tpu.memory_space<hbm>>, %arg5: memref<9216x1024xf32, #tpu.memory_space<hbm>>, %arg6: memref<64x1024xf32, #tpu.memory_space<vmem>>, %arg7: memref<64xi32, #tpu.memory_space<vmem>>, %arg8: memref<64xi32, #tpu.memory_space<vmem>>, %arg9: memref<!tpu.dma_semaphore, #tpu.memory_space<semaphore_mem>>) attributes {dimension_semantics = [#tpu.dimension_semantics<core_parallel>, #tpu.dimension_semantics<subcore_parallel>], iteration_bounds = array<i64: 2, 16>, scalar_prefetch = 0 : i64, scratch_operands = 4 : i64, tpu.core_type = #tpu.core_type<sc_vector_subcore>, window_params = [{transform_indices = #map}, {transform_indices = #map1}, {transform_indices = #map1}, {transform_indices = #map}]} {
    %mul3A = arith.constant 2 : i32
    %mul3A_0 = arith.muli %arg1, %mul3A : i32
    %add3A = arith.addi %mul3A_0, %arg0 : i32
    %mul3A_1 = arith.constant 128 : i32
    %mul3A_2 = arith.muli %add3A, %mul3A_1 : i32
    %add3A_3 = arith.constant 0 : i32
    %add3A_4 = arith.addi %mul3A_2, %add3A_3 : i32
    "tpu.region"() ({
      %run_scoped3A = tpu.sem_alloc : memref<!tpu.dma_semaphore, #tpu.memory_space<semaphore_mem>>
      %dma_start3A_29 = arith.constant 0 : i32
      %dma_start3A_30 = tpu.memref_slice %arg2[%add3A_4, %dma_start3A_29] : memref<4096x1024xf32, #tpu.memory_space<hbm>> -> memref<64x1024xf32, #tpu.memory_space<hbm>>
      %dma_start3A_31 = arith.constant 0 : i32
      %dma_start3A_32 = tpu.memref_slice %arg2[%add3A_4, %dma_start3A_31] : memref<4096x1024xf32, #tpu.memory_space<hbm>> -> memref<64x1024xf32, #tpu.memory_space<hbm>>
      tpu.enqueue_dma source(%dma_start3A_32 : memref<64x1024xf32, #tpu.memory_space<hbm>>) target(%arg6 : memref<64x1024xf32, #tpu.memory_space<vmem>>) target_semaphore(%run_scoped3A : memref<!tpu.dma_semaphore, #tpu.memory_space<semaphore_mem>>)
      %dma_wait3A_33 = arith.constant 0 : i32
      %dma_wait3A_34 = tpu.memref_slice %arg2[%add3A_4, %dma_wait3A_33] : memref<4096x1024xf32, #tpu.memory_space<hbm>> -> memref<64x1024xf32, #tpu.memory_space<hbm>>
      %dma_wait3A_35 = arith.constant 0 : i32
      %dma_wait3A_36 = tpu.memref_slice %arg2[%add3A_4, %dma_wait3A_35] : memref<4096x1024xf32, #tpu.memory_space<hbm>> -> memref<64x1024xf32, #tpu.memory_space<hbm>>
      tpu.wait_dma2 semaphore(%run_scoped3A : memref<!tpu.dma_semaphore, #tpu.memory_space<semaphore_mem>>) src(%dma_wait3A_36 : memref<64x1024xf32, #tpu.memory_space<hbm>>) dst(%arg6 : memref<64x1024xf32, #tpu.memory_space<vmem>>)
      tpu.yield
    }) : () -> ()
    "tpu.region"() ({
      %run_scoped3A = tpu.sem_alloc : memref<!tpu.dma_semaphore, #tpu.memory_space<semaphore_mem>>
      %dma_start3A_29 = tpu.memref_slice %arg3[%add3A_4] : memref<4096xi32, #tpu.memory_space<hbm>> -> memref<64xi32, #tpu.memory_space<hbm>>
      %dma_start3A_30 = tpu.memref_slice %arg3[%add3A_4] : memref<4096xi32, #tpu.memory_space<hbm>> -> memref<64xi32, #tpu.memory_space<hbm>>
      tpu.enqueue_dma source(%dma_start3A_30 : memref<64xi32, #tpu.memory_space<hbm>>) target(%arg7 : memref<64xi32, #tpu.memory_space<vmem>>) target_semaphore(%run_scoped3A : memref<!tpu.dma_semaphore, #tpu.memory_space<semaphore_mem>>)
      %dma_wait3A_31 = tpu.memref_slice %arg3[%add3A_4] : memref<4096xi32, #tpu.memory_space<hbm>> -> memref<64xi32, #tpu.memory_space<hbm>>
      %dma_wait3A_32 = tpu.memref_slice %arg3[%add3A_4] : memref<4096xi32, #tpu.memory_space<hbm>> -> memref<64xi32, #tpu.memory_space<hbm>>
      tpu.wait_dma2 semaphore(%run_scoped3A : memref<!tpu.dma_semaphore, #tpu.memory_space<semaphore_mem>>) src(%dma_wait3A_32 : memref<64xi32, #tpu.memory_space<hbm>>) dst(%arg7 : memref<64xi32, #tpu.memory_space<vmem>>)
      tpu.yield
    }) : () -> ()
    "tpu.region"() ({
      %run_scoped3A = tpu.sem_alloc : memref<!tpu.dma_semaphore, #tpu.memory_space<semaphore_mem>>
      %dma_start3A_29 = tpu.memref_slice %arg4[%add3A_4] : memref<4096xi32, #tpu.memory_space<hbm>> -> memref<64xi32, #tpu.memory_space<hbm>>
      %dma_start3A_30 = tpu.memref_slice %arg4[%add3A_4] : memref<4096xi32, #tpu.memory_space<hbm>> -> memref<64xi32, #tpu.memory_space<hbm>>
      tpu.enqueue_dma source(%dma_start3A_30 : memref<64xi32, #tpu.memory_space<hbm>>) target(%arg8 : memref<64xi32, #tpu.memory_space<vmem>>) target_semaphore(%run_scoped3A : memref<!tpu.dma_semaphore, #tpu.memory_space<semaphore_mem>>)
      %dma_wait3A_31 = tpu.memref_slice %arg4[%add3A_4] : memref<4096xi32, #tpu.memory_space<hbm>> -> memref<64xi32, #tpu.memory_space<hbm>>
      %dma_wait3A_32 = tpu.memref_slice %arg4[%add3A_4] : memref<4096xi32, #tpu.memory_space<hbm>> -> memref<64xi32, #tpu.memory_space<hbm>>
      tpu.wait_dma2 semaphore(%run_scoped3A : memref<!tpu.dma_semaphore, #tpu.memory_space<semaphore_mem>>) src(%dma_wait3A_32 : memref<64xi32, #tpu.memory_space<hbm>>) dst(%arg8 : memref<64xi32, #tpu.memory_space<vmem>>)
      tpu.yield
    }) : () -> ()
    %dma_start3A = arith.constant 0 : i32
    %dma_start3A_5 = arith.constant 0 : i32
    %dma_start3A_6 = tpu.memref_slice %arg5[%dma_start3A, %dma_start3A_5] : memref<9216x1024xf32, #tpu.memory_space<hbm>> -> memref<9216x1024xf32, #tpu.memory_space<hbm>>
    tpu.enqueue_indirect_dma source(%arg6 : memref<64x1024xf32, #tpu.memory_space<vmem>>) target(%dma_start3A_6 : memref<9216x1024xf32, #tpu.memory_space<hbm>>) offsets(%arg7 : memref<64xi32, #tpu.memory_space<vmem>>) semaphore(%arg9 : memref<!tpu.dma_semaphore, #tpu.memory_space<semaphore_mem>>)
    %dma_start3A_7 = arith.constant 0 : i32
    %dma_start3A_8 = arith.constant 0 : i32
    %dma_start3A_9 = tpu.memref_slice %arg5[%dma_start3A_7, %dma_start3A_8] : memref<9216x1024xf32, #tpu.memory_space<hbm>> -> memref<9216x1024xf32, #tpu.memory_space<hbm>>
    tpu.enqueue_indirect_dma source(%arg6 : memref<64x1024xf32, #tpu.memory_space<vmem>>) target(%dma_start3A_9 : memref<9216x1024xf32, #tpu.memory_space<hbm>>) offsets(%arg8 : memref<64xi32, #tpu.memory_space<vmem>>) semaphore(%arg9 : memref<!tpu.dma_semaphore, #tpu.memory_space<semaphore_mem>>)
    %dma_wait3A = arith.constant 0 : i32
    %dma_wait3A_10 = arith.constant 0 : i32
    %dma_wait3A_11 = tpu.memref_slice %arg5[%dma_wait3A, %dma_wait3A_10] : memref<9216x1024xf32, #tpu.memory_space<hbm>> -> memref<9216x1024xf32, #tpu.memory_space<hbm>>
    tpu.wait_indirect_dma semaphore(%arg9 : memref<!tpu.dma_semaphore, #tpu.memory_space<semaphore_mem>>) src(%arg6 : memref<64x1024xf32, #tpu.memory_space<vmem>>) dst(%dma_wait3A_11 : memref<9216x1024xf32, #tpu.memory_space<hbm>>)
    %dma_wait3A_12 = arith.constant 0 : i32
    %dma_wait3A_13 = arith.constant 0 : i32
    %dma_wait3A_14 = tpu.memref_slice %arg5[%dma_wait3A_12, %dma_wait3A_13] : memref<9216x1024xf32, #tpu.memory_space<hbm>> -> memref<9216x1024xf32, #tpu.memory_space<hbm>>
    tpu.wait_indirect_dma semaphore(%arg9 : memref<!tpu.dma_semaphore, #tpu.memory_space<semaphore_mem>>) src(%arg6 : memref<64x1024xf32, #tpu.memory_space<vmem>>) dst(%dma_wait3A_14 : memref<9216x1024xf32, #tpu.memory_space<hbm>>)
    %add3A_15 = arith.constant 64 : i32
    %add3A_16 = arith.addi %mul3A_2, %add3A_15 : i32
    "tpu.region"() ({
      %run_scoped3A = tpu.sem_alloc : memref<!tpu.dma_semaphore, #tpu.memory_space<semaphore_mem>>
      %dma_start3A_29 = arith.constant 0 : i32
      %dma_start3A_30 = tpu.memref_slice %arg2[%add3A_16, %dma_start3A_29] : memref<4096x1024xf32, #tpu.memory_space<hbm>> -> memref<64x1024xf32, #tpu.memory_space<hbm>>
      %dma_start3A_31 = arith.constant 0 : i32
      %dma_start3A_32 = tpu.memref_slice %arg2[%add3A_16, %dma_start3A_31] : memref<4096x1024xf32, #tpu.memory_space<hbm>> -> memref<64x1024xf32, #tpu.memory_space<hbm>>
      tpu.enqueue_dma source(%dma_start3A_32 : memref<64x1024xf32, #tpu.memory_space<hbm>>) target(%arg6 : memref<64x1024xf32, #tpu.memory_space<vmem>>) target_semaphore(%run_scoped3A : memref<!tpu.dma_semaphore, #tpu.memory_space<semaphore_mem>>)
      %dma_wait3A_33 = arith.constant 0 : i32
      %dma_wait3A_34 = tpu.memref_slice %arg2[%add3A_16, %dma_wait3A_33] : memref<4096x1024xf32, #tpu.memory_space<hbm>> -> memref<64x1024xf32, #tpu.memory_space<hbm>>
      %dma_wait3A_35 = arith.constant 0 : i32
      %dma_wait3A_36 = tpu.memref_slice %arg2[%add3A_16, %dma_wait3A_35] : memref<4096x1024xf32, #tpu.memory_space<hbm>> -> memref<64x1024xf32, #tpu.memory_space<hbm>>
      tpu.wait_dma2 semaphore(%run_scoped3A : memref<!tpu.dma_semaphore, #tpu.memory_space<semaphore_mem>>) src(%dma_wait3A_36 : memref<64x1024xf32, #tpu.memory_space<hbm>>) dst(%arg6 : memref<64x1024xf32, #tpu.memory_space<vmem>>)
      tpu.yield
    }) : () -> ()
    "tpu.region"() ({
      %run_scoped3A = tpu.sem_alloc : memref<!tpu.dma_semaphore, #tpu.memory_space<semaphore_mem>>
      %dma_start3A_29 = tpu.memref_slice %arg3[%add3A_16] : memref<4096xi32, #tpu.memory_space<hbm>> -> memref<64xi32, #tpu.memory_space<hbm>>
      %dma_start3A_30 = tpu.memref_slice %arg3[%add3A_16] : memref<4096xi32, #tpu.memory_space<hbm>> -> memref<64xi32, #tpu.memory_space<hbm>>
      tpu.enqueue_dma source(%dma_start3A_30 : memref<64xi32, #tpu.memory_space<hbm>>) target(%arg7 : memref<64xi32, #tpu.memory_space<vmem>>) target_semaphore(%run_scoped3A : memref<!tpu.dma_semaphore, #tpu.memory_space<semaphore_mem>>)
      %dma_wait3A_31 = tpu.memref_slice %arg3[%add3A_16] : memref<4096xi32, #tpu.memory_space<hbm>> -> memref<64xi32, #tpu.memory_space<hbm>>
      %dma_wait3A_32 = tpu.memref_slice %arg3[%add3A_16] : memref<4096xi32, #tpu.memory_space<hbm>> -> memref<64xi32, #tpu.memory_space<hbm>>
      tpu.wait_dma2 semaphore(%run_scoped3A : memref<!tpu.dma_semaphore, #tpu.memory_space<semaphore_mem>>) src(%dma_wait3A_32 : memref<64xi32, #tpu.memory_space<hbm>>) dst(%arg7 : memref<64xi32, #tpu.memory_space<vmem>>)
      tpu.yield
    }) : () -> ()
    "tpu.region"() ({
      %run_scoped3A = tpu.sem_alloc : memref<!tpu.dma_semaphore, #tpu.memory_space<semaphore_mem>>
      %dma_start3A_29 = tpu.memref_slice %arg4[%add3A_16] : memref<4096xi32, #tpu.memory_space<hbm>> -> memref<64xi32, #tpu.memory_space<hbm>>
      %dma_start3A_30 = tpu.memref_slice %arg4[%add3A_16] : memref<4096xi32, #tpu.memory_space<hbm>> -> memref<64xi32, #tpu.memory_space<hbm>>
      tpu.enqueue_dma source(%dma_start3A_30 : memref<64xi32, #tpu.memory_space<hbm>>) target(%arg8 : memref<64xi32, #tpu.memory_space<vmem>>) target_semaphore(%run_scoped3A : memref<!tpu.dma_semaphore, #tpu.memory_space<semaphore_mem>>)
      %dma_wait3A_31 = tpu.memref_slice %arg4[%add3A_16] : memref<4096xi32, #tpu.memory_space<hbm>> -> memref<64xi32, #tpu.memory_space<hbm>>
      %dma_wait3A_32 = tpu.memref_slice %arg4[%add3A_16] : memref<4096xi32, #tpu.memory_space<hbm>> -> memref<64xi32, #tpu.memory_space<hbm>>
      tpu.wait_dma2 semaphore(%run_scoped3A : memref<!tpu.dma_semaphore, #tpu.memory_space<semaphore_mem>>) src(%dma_wait3A_32 : memref<64xi32, #tpu.memory_space<hbm>>) dst(%arg8 : memref<64xi32, #tpu.memory_space<vmem>>)
      tpu.yield
    }) : () -> ()
    %dma_start3A_17 = arith.constant 0 : i32
    %dma_start3A_18 = arith.constant 0 : i32
    %dma_start3A_19 = tpu.memref_slice %arg5[%dma_start3A_17, %dma_start3A_18] : memref<9216x1024xf32, #tpu.memory_space<hbm>> -> memref<9216x1024xf32, #tpu.memory_space<hbm>>
    tpu.enqueue_indirect_dma source(%arg6 : memref<64x1024xf32, #tpu.memory_space<vmem>>) target(%dma_start3A_19 : memref<9216x1024xf32, #tpu.memory_space<hbm>>) offsets(%arg7 : memref<64xi32, #tpu.memory_space<vmem>>) semaphore(%arg9 : memref<!tpu.dma_semaphore, #tpu.memory_space<semaphore_mem>>)
    %dma_start3A_20 = arith.constant 0 : i32
    %dma_start3A_21 = arith.constant 0 : i32
    %dma_start3A_22 = tpu.memref_slice %arg5[%dma_start3A_20, %dma_start3A_21] : memref<9216x1024xf32, #tpu.memory_space<hbm>> -> memref<9216x1024xf32, #tpu.memory_space<hbm>>
    tpu.enqueue_indirect_dma source(%arg6 : memref<64x1024xf32, #tpu.memory_space<vmem>>) target(%dma_start3A_22 : memref<9216x1024xf32, #tpu.memory_space<hbm>>) offsets(%arg8 : memref<64xi32, #tpu.memory_space<vmem>>) semaphore(%arg9 : memref<!tpu.dma_semaphore, #tpu.memory_space<semaphore_mem>>)
    %dma_wait3A_23 = arith.constant 0 : i32
    %dma_wait3A_24 = arith.constant 0 : i32
    %dma_wait3A_25 = tpu.memref_slice %arg5[%dma_wait3A_23, %dma_wait3A_24] : memref<9216x1024xf32, #tpu.memory_space<hbm>> -> memref<9216x1024xf32, #tpu.memory_space<hbm>>
    tpu.wait_indirect_dma semaphore(%arg9 : memref<!tpu.dma_semaphore, #tpu.memory_space<semaphore_mem>>) src(%arg6 : memref<64x1024xf32, #tpu.memory_space<vmem>>) dst(%dma_wait3A_25 : memref<9216x1024xf32, #tpu.memory_space<hbm>>)
    %dma_wait3A_26 = arith.constant 0 : i32
    %dma_wait3A_27 = arith.constant 0 : i32
    %dma_wait3A_28 = tpu.memref_slice %arg5[%dma_wait3A_26, %dma_wait3A_27] : memref<9216x1024xf32, #tpu.memory_space<hbm>> -> memref<9216x1024xf32, #tpu.memory_space<hbm>>
    tpu.wait_indirect_dma semaphore(%arg9 : memref<!tpu.dma_semaphore, #tpu.memory_space<semaphore_mem>>) src(%arg6 : memref<64x1024xf32, #tpu.memory_space<vmem>>) dst(%dma_wait3A_28 : memref<9216x1024xf32, #tpu.memory_space<hbm>>)
    return
  }
}

module attributes {stable_mosaic.version = 14 : i64} {
  func.func @_router_body(%arg0: memref<4096x1024xf32, #tpu.memory_space<vmem>>, %arg1: memref<1024x8xf32, #tpu.memory_space<vmem>>, %arg2: memref<8x8xf32, #tpu.memory_space<vmem>>, %arg3: memref<4096x8xf32, #tpu.memory_space<vmem>>, %arg4: memref<4096x1xi32, #tpu.memory_space<vmem>>, %arg5: memref<4096x1xi32, #tpu.memory_space<vmem>>, %arg6: memref<4096x1xf32, #tpu.memory_space<vmem>>, %arg7: memref<4096x1xf32, #tpu.memory_space<vmem>>, %arg8: memref<72x1xi32, #tpu.memory_space<vmem>>) attributes {dimension_semantics = [], scalar_prefetch = 0 : i64, scratch_operands = 0 : i64, tpu.core_type = #tpu.core_type<tc>} {
    %get3A = arith.constant 0 : index
    %get3A_0 = arith.constant 0 : index
    %get3A_1 = vector.load %arg0[%get3A, %get3A_0] : memref<4096x1024xf32, #tpu.memory_space<vmem>>, vector<4096x1024xf32>
    %convert_element_type3A = arith.truncf %get3A_1 : vector<4096x1024xf32> to vector<4096x1024xbf16>
    %get3A_2 = arith.constant 0 : index
    %get3A_3 = arith.constant 0 : index
    %get3A_4 = vector.load %arg1[%get3A_2, %get3A_3] : memref<1024x8xf32, #tpu.memory_space<vmem>>, vector<1024x8xf32>
    %convert_element_type3A_5 = arith.truncf %get3A_4 : vector<1024x8xf32> to vector<1024x8xbf16>
    %dot_general3A = arith.constant dense<0.000000e+00> : vector<4096x8xf32>
    %dot_general3A_6 = tpu.matmul %convert_element_type3A, %convert_element_type3A_5, %dot_general3A {dimension_numbers = #tpu.dot_dimension_numbers<[1], [0], [0], [1], [0, 0, 1, 1], [], []>, transpose_lhs_hint = false} : vector<4096x1024xbf16>, vector<1024x8xbf16>, vector<4096x8xf32> -> vector<4096x8xf32>
    %swap3A = arith.constant 0 : index
    %swap3A_7 = arith.constant 0 : index
    %swap3A_8 = vector.load %arg3[%swap3A, %swap3A_7] : memref<4096x8xf32, #tpu.memory_space<vmem>>, vector<4096x8xf32>
    tpu.vector_store %arg3[%swap3A, %swap3A_7], %dot_general3A_6 {strides = array<i32>} : memref<4096x8xf32, #tpu.memory_space<vmem>>, vector<4096x8xf32>,
    %reduce_max3A = arith.constant dense<0xFF800000> : vector<4096xf32>
    %reduce_max3A_9 = vector.multi_reduction <maximumf>, %dot_general3A_6, %reduce_max3A [1] : vector<4096x8xf32> to vector<4096xf32>
    %broadcast_in_dim3A = vector.shape_cast %reduce_max3A_9 : vector<4096xf32> to vector<4096x1xf32>
    %sub3A = vector.broadcast %broadcast_in_dim3A : vector<4096x1xf32> to vector<4096x8xf32>
    %sub3A_10 = arith.subf %dot_general3A_6, %sub3A : vector<4096x8xf32>
    %exp3A = math.exp %sub3A_10 : vector<4096x8xf32>
    %reduce_sum3A = arith.constant dense<0.000000e+00> : vector<4096xf32>
    %reduce_sum3A_11 = vector.multi_reduction <add>, %exp3A, %reduce_sum3A [1] : vector<4096x8xf32> to vector<4096xf32>
    %broadcast_in_dim3A_12 = vector.shape_cast %reduce_sum3A_11 : vector<4096xf32> to vector<4096x1xf32>
    %div3A = vector.broadcast %broadcast_in_dim3A_12 : vector<4096x1xf32> to vector<4096x8xf32>
    %div3A_13 = arith.divf %exp3A, %div3A : vector<4096x8xf32>
    %iota3A = tpu.iota {dimensions = array<i32: 1>} : vector<4096x8xi32>
    %reduce_max3A_14 = arith.constant dense<0xFF800000> : vector<4096xf32>
    %reduce_max3A_15 = vector.multi_reduction <maximumf>, %dot_general3A_6, %reduce_max3A_14 [1] : vector<4096x8xf32> to vector<4096xf32>
    %broadcast_in_dim3A_16 = vector.shape_cast %reduce_max3A_15 : vector<4096xf32> to vector<4096x1xf32>
    %eq3A = vector.broadcast %broadcast_in_dim3A_16 : vector<4096x1xf32> to vector<4096x8xf32>
    %eq3A_17 = arith.cmpf oeq, %dot_general3A_6, %eq3A : vector<4096x8xf32>
    %jit3A = arith.constant 8 : i32
    %broadcast_in_dim3A_18 = vector.broadcast %jit3A : i32 to vector<4096x8xi32>
    %select_n3A = arith.select %eq3A_17, %iota3A, %broadcast_in_dim3A_18 : vector<4096x8xi1>, vector<4096x8xi32>
    %reduce_min3A = arith.constant dense<2147483647> : vector<4096xi32>
    %reduce_min3A_19 = vector.multi_reduction <minsi>, %select_n3A, %reduce_min3A [1] : vector<4096x8xi32> to vector<4096xi32>
    %broadcast_in_dim3A_20 = vector.shape_cast %reduce_min3A_19 : vector<4096xi32> to vector<4096x1xi32>
    %eq3A_21 = vector.broadcast %broadcast_in_dim3A_20 : vector<4096x1xi32> to vector<4096x8xi32>
    %eq3A_22 = arith.cmpi eq, %iota3A, %eq3A_21 : vector<4096x8xi32>
    %jit3A_23 = arith.constant 0xFF800000 : f32
    %broadcast_in_dim3A_24 = vector.broadcast %jit3A_23 : f32 to vector<4096x8xf32>
    %select_n3A_25 = arith.select %eq3A_22, %broadcast_in_dim3A_24, %dot_general3A_6 : vector<4096x8xi1>, vector<4096x8xf32>
    %reduce_max3A_26 = arith.constant dense<0xFF800000> : vector<4096xf32>
    %reduce_max3A_27 = vector.multi_reduction <maximumf>, %select_n3A_25, %reduce_max3A_26 [1] : vector<4096x8xf32> to vector<4096xf32>
    %broadcast_in_dim3A_28 = vector.shape_cast %reduce_max3A_27 : vector<4096xf32> to vector<4096x1xf32>
    %eq3A_29 = vector.broadcast %broadcast_in_dim3A_28 : vector<4096x1xf32> to vector<4096x8xf32>
    %eq3A_30 = arith.cmpf oeq, %select_n3A_25, %eq3A_29 : vector<4096x8xf32>
    %jit3A_31 = arith.constant 8 : i32
    %broadcast_in_dim3A_32 = vector.broadcast %jit3A_31 : i32 to vector<4096x8xi32>
    %select_n3A_33 = arith.select %eq3A_30, %iota3A, %broadcast_in_dim3A_32 : vector<4096x8xi1>, vector<4096x8xi32>
    %reduce_min3A_34 = arith.constant dense<2147483647> : vector<4096xi32>
    %reduce_min3A_35 = vector.multi_reduction <minsi>, %select_n3A_33, %reduce_min3A_34 [1] : vector<4096x8xi32> to vector<4096xi32>
    %broadcast_in_dim3A_36 = vector.shape_cast %reduce_min3A_35 : vector<4096xi32> to vector<4096x1xi32>
    %eq3A_37 = vector.broadcast %broadcast_in_dim3A_20 : vector<4096x1xi32> to vector<4096x8xi32>
    %eq3A_38 = arith.cmpi eq, %iota3A, %eq3A_37 : vector<4096x8xi32>
    %jit3A_39 = arith.constant 0.000000e+00 : f32
    %broadcast_in_dim3A_40 = vector.broadcast %jit3A_39 : f32 to vector<4096x8xf32>
    %select_n3A_41 = arith.select %eq3A_38, %div3A_13, %broadcast_in_dim3A_40 : vector<4096x8xi1>, vector<4096x8xf32>
    %reduce_sum3A_42 = arith.constant dense<0.000000e+00> : vector<4096xf32>
    %reduce_sum3A_43 = vector.multi_reduction <add>, %select_n3A_41, %reduce_sum3A_42 [1] : vector<4096x8xf32> to vector<4096xf32>
    %broadcast_in_dim3A_44 = vector.shape_cast %reduce_sum3A_43 : vector<4096xf32> to vector<4096x1xf32>
    %swap3A_45 = arith.constant 0 : index
    %swap3A_46 = arith.constant 0 : index
    %swap3A_47 = vector.load %arg6[%swap3A_45, %swap3A_46] : memref<4096x1xf32, #tpu.memory_space<vmem>>, vector<4096x1xf32>
    tpu.vector_store %arg6[%swap3A_45, %swap3A_46], %broadcast_in_dim3A_44 {strides = array<i32>} : memref<4096x1xf32, #tpu.memory_space<vmem>>, vector<4096x1xf32>,
    %eq3A_48 = vector.broadcast %broadcast_in_dim3A_36 : vector<4096x1xi32> to vector<4096x8xi32>
    %eq3A_49 = arith.cmpi eq, %iota3A, %eq3A_48 : vector<4096x8xi32>
    %jit3A_50 = arith.constant 0.000000e+00 : f32
    %broadcast_in_dim3A_51 = vector.broadcast %jit3A_50 : f32 to vector<4096x8xf32>
    %select_n3A_52 = arith.select %eq3A_49, %div3A_13, %broadcast_in_dim3A_51 : vector<4096x8xi1>, vector<4096x8xf32>
    %reduce_sum3A_53 = arith.constant dense<0.000000e+00> : vector<4096xf32>
    %reduce_sum3A_54 = vector.multi_reduction <add>, %select_n3A_52, %reduce_sum3A_53 [1] : vector<4096x8xf32> to vector<4096xf32>
    %broadcast_in_dim3A_55 = vector.shape_cast %reduce_sum3A_54 : vector<4096xf32> to vector<4096x1xf32>
    %swap3A_56 = arith.constant 0 : index
    %swap3A_57 = arith.constant 0 : index
    %swap3A_58 = vector.load %arg7[%swap3A_56, %swap3A_57] : memref<4096x1xf32, #tpu.memory_space<vmem>>, vector<4096x1xf32>
    tpu.vector_store %arg7[%swap3A_56, %swap3A_57], %broadcast_in_dim3A_55 {strides = array<i32>} : memref<4096x1xf32, #tpu.memory_space<vmem>>, vector<4096x1xf32>,
    %eq3A_59 = vector.broadcast %broadcast_in_dim3A_20 : vector<4096x1xi32> to vector<4096x8xi32>
    %eq3A_60 = arith.cmpi eq, %iota3A, %eq3A_59 : vector<4096x8xi32>
    %convert_element_type3A_61 = arith.extui %eq3A_60 : vector<4096x8xi1> to vector<4096x8xi32>
    %eq3A_62 = vector.broadcast %broadcast_in_dim3A_36 : vector<4096x1xi32> to vector<4096x8xi32>
    %eq3A_63 = arith.cmpi eq, %iota3A, %eq3A_62 : vector<4096x8xi32>
    %convert_element_type3A_64 = arith.extui %eq3A_63 : vector<4096x8xi1> to vector<4096x8xi32>
    %add3A = arith.addi %convert_element_type3A_61, %convert_element_type3A_64 : vector<4096x8xi32>
    %iota3A_65 = tpu.iota {dimensions = array<i32: 0>} : vector<4096x8xi32>
    %roll3A = arith.constant 1 : i32
    %roll3A_66 = tpu.dynamic_rotate %add3A by %roll3A dim 0 : vector<4096x8xi32>, i32 -> vector<4096x8xi32>
    %ge3A = arith.constant 1 : i32
    %ge3A_67 = vector.broadcast %ge3A : i32 to vector<4096x8xi32>
    %ge3A_68 = arith.cmpi sge, %iota3A_65, %ge3A_67 : vector<4096x8xi32>
    %jit3A_69 = arith.constant 0 : i32
    %broadcast_in_dim3A_70 = vector.broadcast %jit3A_69 : i32 to vector<4096x8xi32>
    %select_n3A_71 = arith.select %ge3A_68, %roll3A_66, %broadcast_in_dim3A_70 : vector<4096x8xi1>, vector<4096x8xi32>
    %add3A_72 = arith.addi %add3A, %select_n3A_71 : vector<4096x8xi32>
    %roll3A_73 = arith.constant 2 : i32
    %roll3A_74 = tpu.dynamic_rotate %add3A_72 by %roll3A_73 dim 0 : vector<4096x8xi32>, i32 -> vector<4096x8xi32>
    %ge3A_75 = arith.constant 2 : i32
    %ge3A_76 = vector.broadcast %ge3A_75 : i32 to vector<4096x8xi32>
    %ge3A_77 = arith.cmpi sge, %iota3A_65, %ge3A_76 : vector<4096x8xi32>
    %jit3A_78 = arith.constant 0 : i32
    %broadcast_in_dim3A_79 = vector.broadcast %jit3A_78 : i32 to vector<4096x8xi32>
    %select_n3A_80 = arith.select %ge3A_77, %roll3A_74, %broadcast_in_dim3A_79 : vector<4096x8xi1>, vector<4096x8xi32>
    %add3A_81 = arith.addi %add3A_72, %select_n3A_80 : vector<4096x8xi32>
    %roll3A_82 = arith.constant 4 : i32
    %roll3A_83 = tpu.dynamic_rotate %add3A_81 by %roll3A_82 dim 0 : vector<4096x8xi32>, i32 -> vector<4096x8xi32>
    %ge3A_84 = arith.constant 4 : i32
    %ge3A_85 = vector.broadcast %ge3A_84 : i32 to vector<4096x8xi32>
    %ge3A_86 = arith.cmpi sge, %iota3A_65, %ge3A_85 : vector<4096x8xi32>
    %jit3A_87 = arith.constant 0 : i32
    %broadcast_in_dim3A_88 = vector.broadcast %jit3A_87 : i32 to vector<4096x8xi32>
    %select_n3A_89 = arith.select %ge3A_86, %roll3A_83, %broadcast_in_dim3A_88 : vector<4096x8xi1>, vector<4096x8xi32>
    %add3A_90 = arith.addi %add3A_81, %select_n3A_89 : vector<4096x8xi32>
    %roll3A_91 = arith.constant 8 : i32
    %roll3A_92 = tpu.dynamic_rotate %add3A_90 by %roll3A_91 dim 0 : vector<4096x8xi32>, i32 -> vector<4096x8xi32>
    %ge3A_93 = arith.constant 8 : i32
    %ge3A_94 = vector.broadcast %ge3A_93 : i32 to vector<4096x8xi32>
    %ge3A_95 = arith.cmpi sge, %iota3A_65, %ge3A_94 : vector<4096x8xi32>
    %jit3A_96 = arith.constant 0 : i32
    %broadcast_in_dim3A_97 = vector.broadcast %jit3A_96 : i32 to vector<4096x8xi32>
    %select_n3A_98 = arith.select %ge3A_95, %roll3A_92, %broadcast_in_dim3A_97 : vector<4096x8xi1>, vector<4096x8xi32>
    %add3A_99 = arith.addi %add3A_90, %select_n3A_98 : vector<4096x8xi32>
    %roll3A_100 = arith.constant 16 : i32
    %roll3A_101 = tpu.dynamic_rotate %add3A_99 by %roll3A_100 dim 0 : vector<4096x8xi32>, i32 -> vector<4096x8xi32>
    %ge3A_102 = arith.constant 16 : i32
    %ge3A_103 = vector.broadcast %ge3A_102 : i32 to vector<4096x8xi32>
    %ge3A_104 = arith.cmpi sge, %iota3A_65, %ge3A_103 : vector<4096x8xi32>
    %jit3A_105 = arith.constant 0 : i32
    %broadcast_in_dim3A_106 = vector.broadcast %jit3A_105 : i32 to vector<4096x8xi32>
    %select_n3A_107 = arith.select %ge3A_104, %roll3A_101, %broadcast_in_dim3A_106 : vector<4096x8xi1>, vector<4096x8xi32>
    %add3A_108 = arith.addi %add3A_99, %select_n3A_107 : vector<4096x8xi32>
    %roll3A_109 = arith.constant 32 : i32
    %roll3A_110 = tpu.dynamic_rotate %add3A_108 by %roll3A_109 dim 0 : vector<4096x8xi32>, i32 -> vector<4096x8xi32>
    %ge3A_111 = arith.constant 32 : i32
    %ge3A_112 = vector.broadcast %ge3A_111 : i32 to vector<4096x8xi32>
    %ge3A_113 = arith.cmpi sge, %iota3A_65, %ge3A_112 : vector<4096x8xi32>
    %jit3A_114 = arith.constant 0 : i32
    %broadcast_in_dim3A_115 = vector.broadcast %jit3A_114 : i32 to vector<4096x8xi32>
    %select_n3A_116 = arith.select %ge3A_113, %roll3A_110, %broadcast_in_dim3A_115 : vector<4096x8xi1>, vector<4096x8xi32>
    %add3A_117 = arith.addi %add3A_108, %select_n3A_116 : vector<4096x8xi32>
    %roll3A_118 = arith.constant 64 : i32
    %roll3A_119 = tpu.dynamic_rotate %add3A_117 by %roll3A_118 dim 0 : vector<4096x8xi32>, i32 -> vector<4096x8xi32>
    %ge3A_120 = arith.constant 64 : i32
    %ge3A_121 = vector.broadcast %ge3A_120 : i32 to vector<4096x8xi32>
    %ge3A_122 = arith.cmpi sge, %iota3A_65, %ge3A_121 : vector<4096x8xi32>
    %jit3A_123 = arith.constant 0 : i32
    %broadcast_in_dim3A_124 = vector.broadcast %jit3A_123 : i32 to vector<4096x8xi32>
    %select_n3A_125 = arith.select %ge3A_122, %roll3A_119, %broadcast_in_dim3A_124 : vector<4096x8xi1>, vector<4096x8xi32>
    %add3A_126 = arith.addi %add3A_117, %select_n3A_125 : vector<4096x8xi32>
    %roll3A_127 = arith.constant 128 : i32
    %roll3A_128 = tpu.dynamic_rotate %add3A_126 by %roll3A_127 dim 0 : vector<4096x8xi32>, i32 -> vector<4096x8xi32>
    %ge3A_129 = arith.constant 128 : i32
    %ge3A_130 = vector.broadcast %ge3A_129 : i32 to vector<4096x8xi32>
    %ge3A_131 = arith.cmpi sge, %iota3A_65, %ge3A_130 : vector<4096x8xi32>
    %jit3A_132 = arith.constant 0 : i32
    %broadcast_in_dim3A_133 = vector.broadcast %jit3A_132 : i32 to vector<4096x8xi32>
    %select_n3A_134 = arith.select %ge3A_131, %roll3A_128, %broadcast_in_dim3A_133 : vector<4096x8xi1>, vector<4096x8xi32>
    %add3A_135 = arith.addi %add3A_126, %select_n3A_134 : vector<4096x8xi32>
    %roll3A_136 = arith.constant 256 : i32
    %roll3A_137 = tpu.dynamic_rotate %add3A_135 by %roll3A_136 dim 0 : vector<4096x8xi32>, i32 -> vector<4096x8xi32>
    %ge3A_138 = arith.constant 256 : i32
    %ge3A_139 = vector.broadcast %ge3A_138 : i32 to vector<4096x8xi32>
    %ge3A_140 = arith.cmpi sge, %iota3A_65, %ge3A_139 : vector<4096x8xi32>
    %jit3A_141 = arith.constant 0 : i32
    %broadcast_in_dim3A_142 = vector.broadcast %jit3A_141 : i32 to vector<4096x8xi32>
    %select_n3A_143 = arith.select %ge3A_140, %roll3A_137, %broadcast_in_dim3A_142 : vector<4096x8xi1>, vector<4096x8xi32>
    %add3A_144 = arith.addi %add3A_135, %select_n3A_143 : vector<4096x8xi32>
    %roll3A_145 = arith.constant 512 : i32
    %roll3A_146 = tpu.dynamic_rotate %add3A_144 by %roll3A_145 dim 0 : vector<4096x8xi32>, i32 -> vector<4096x8xi32>
    %ge3A_147 = arith.constant 512 : i32
    %ge3A_148 = vector.broadcast %ge3A_147 : i32 to vector<4096x8xi32>
    %ge3A_149 = arith.cmpi sge, %iota3A_65, %ge3A_148 : vector<4096x8xi32>
    %jit3A_150 = arith.constant 0 : i32
    %broadcast_in_dim3A_151 = vector.broadcast %jit3A_150 : i32 to vector<4096x8xi32>
    %select_n3A_152 = arith.select %ge3A_149, %roll3A_146, %broadcast_in_dim3A_151 : vector<4096x8xi1>, vector<4096x8xi32>
    %add3A_153 = arith.addi %add3A_144, %select_n3A_152 : vector<4096x8xi32>
    %roll3A_154 = arith.constant 1024 : i32
    %roll3A_155 = tpu.dynamic_rotate %add3A_153 by %roll3A_154 dim 0 : vector<4096x8xi32>, i32 -> vector<4096x8xi32>
    %ge3A_156 = arith.constant 1024 : i32
    %ge3A_157 = vector.broadcast %ge3A_156 : i32 to vector<4096x8xi32>
    %ge3A_158 = arith.cmpi sge, %iota3A_65, %ge3A_157 : vector<4096x8xi32>
    %jit3A_159 = arith.constant 0 : i32
    %broadcast_in_dim3A_160 = vector.broadcast %jit3A_159 : i32 to vector<4096x8xi32>
    %select_n3A_161 = arith.select %ge3A_158, %roll3A_155, %broadcast_in_dim3A_160 : vector<4096x8xi1>, vector<4096x8xi32>
    %add3A_162 = arith.addi %add3A_153, %select_n3A_161 : vector<4096x8xi32>
    %roll3A_163 = arith.constant 2048 : i32
    %roll3A_164 = tpu.dynamic_rotate %add3A_162 by %roll3A_163 dim 0 : vector<4096x8xi32>, i32 -> vector<4096x8xi32>
    %ge3A_165 = arith.constant 2048 : i32
    %ge3A_166 = vector.broadcast %ge3A_165 : i32 to vector<4096x8xi32>
    %ge3A_167 = arith.cmpi sge, %iota3A_65, %ge3A_166 : vector<4096x8xi32>
    %jit3A_168 = arith.constant 0 : i32
    %broadcast_in_dim3A_169 = vector.broadcast %jit3A_168 : i32 to vector<4096x8xi32>
    %select_n3A_170 = arith.select %ge3A_167, %roll3A_164, %broadcast_in_dim3A_169 : vector<4096x8xi1>, vector<4096x8xi32>
    %add3A_171 = arith.addi %add3A_162, %select_n3A_170 : vector<4096x8xi32>
    %sub3A_172 = arith.subi %add3A_171, %add3A : vector<4096x8xi32>
    %slice3A = vector.extract_strided_slice %add3A_171 {offsets = [4095, 0], sizes = [1, 8], strides = [1, 1]} : vector<4096x8xi32> to vector<1x8xi32>
    %add3A_173 = arith.constant 127 : i32
    %add3A_174 = vector.broadcast %add3A_173 : i32 to vector<1x8xi32>
    %add3A_175 = arith.addi %slice3A, %add3A_174 : vector<1x8xi32>
    %jit3A_176 = arith.constant 128 : i32
    %div3A_177 = vector.broadcast %jit3A_176 : i32 to vector<1x8xi32>
    %div3A_178 = arith.divsi %add3A_175, %div3A_177 : vector<1x8xi32>
    %sign3A = arith.constant 0 : i32
    %sign3A_179 = vector.broadcast %sign3A : i32 to vector<1x8xi32>
    %sign3A_180 = arith.cmpi sgt, %add3A_175, %sign3A_179 : vector<1x8xi32>
    %sign3A_181 = arith.extui %sign3A_180 : vector<1x8xi1> to vector<1x8xi32>
    %sign3A_182 = arith.constant 0 : i32
    %sign3A_183 = vector.broadcast %sign3A_182 : i32 to vector<1x8xi32>
    %sign3A_184 = arith.cmpi slt, %add3A_175, %sign3A_183 : vector<1x8xi32>
    %sign3A_185 = arith.extui %sign3A_184 : vector<1x8xi1> to vector<1x8xi32>
    %sign3A_186 = arith.subi %sign3A_181, %sign3A_185 : vector<1x8xi32>
    %sign3A_187 = arith.constant 0 : i32
    %sign3A_188 = arith.cmpi sgt, %jit3A_176, %sign3A_187 : i32
    %sign3A_189 = arith.extui %sign3A_188 : i1 to i32
    %sign3A_190 = arith.constant 0 : i32
    %sign3A_191 = arith.cmpi slt, %jit3A_176, %sign3A_190 : i32
    %sign3A_192 = arith.extui %sign3A_191 : i1 to i32
    %sign3A_193 = arith.subi %sign3A_189, %sign3A_192 : i32
    %ne3A = vector.broadcast %sign3A_193 : i32 to vector<1x8xi32>
    %ne3A_194 = arith.cmpi ne, %sign3A_186, %ne3A : vector<1x8xi32>
    %rem3A = vector.broadcast %jit3A_176 : i32 to vector<1x8xi32>
    %rem3A_195 = arith.remsi %add3A_175, %rem3A : vector<1x8xi32>
    %ne3A_196 = arith.constant 0 : i32
    %ne3A_197 = vector.broadcast %ne3A_196 : i32 to vector<1x8xi32>
    %ne3A_198 = arith.cmpi ne, %rem3A_195, %ne3A_197 : vector<1x8xi32>
    %and3A = arith.andi %ne3A_194, %ne3A_198 : vector<1x8xi1>
    %sub3A_199 = arith.constant 1 : i32
    %sub3A_200 = vector.broadcast %sub3A_199 : i32 to vector<1x8xi32>
    %sub3A_201 = arith.subi %div3A_178, %sub3A_200 : vector<1x8xi32>
    %select_n3A_202 = arith.select %and3A, %sub3A_201, %div3A_178 : vector<1x8xi1>, vector<1x8xi32>
    %mul3A = arith.constant 128 : i32
    %mul3A_203 = vector.broadcast %mul3A : i32 to vector<1x8xi32>
    %mul3A_204 = arith.muli %select_n3A_202, %mul3A_203 : vector<1x8xi32>
    %convert_element_type3A_205 = arith.sitofp %mul3A_204 : vector<1x8xi32> to vector<1x8xf32>
    %get3A_206 = arith.constant 0 : index
    %get3A_207 = arith.constant 0 : index
    %get3A_208 = vector.load %arg2[%get3A_206, %get3A_207] : memref<8x8xf32, #tpu.memory_space<vmem>>, vector<8x8xf32>
    %dot_general3A_209 = arith.constant dense<0.000000e+00> : vector<1x8xf32>
    %dot_general3A_210 = tpu.matmul %convert_element_type3A_205, %get3A_208, %dot_general3A_209 {dimension_numbers = #tpu.dot_dimension_numbers<[1], [0], [0], [1], [0, 0, 1, 1], [], []>, precision = #tpu.contract_precision<fp32>, transpose_lhs_hint = false} : vector<1x8xf32>, vector<8x8xf32>, vector<1x8xf32> -> vector<1x8xf32>
    %convert_element_type3A_211 = arith.fptosi %dot_general3A_210 : vector<1x8xf32> to vector<1x8xi32>
    %add3A_212 = vector.broadcast %convert_element_type3A_211 : vector<1x8xi32> to vector<4096x8xi32>
    %add3A_213 = arith.addi %add3A_212, %sub3A_172 : vector<4096x8xi32>
    %mul3A_214 = arith.muli %convert_element_type3A_61, %add3A_213 : vector<4096x8xi32>
    %reduce_sum3A_215 = arith.constant dense<0> : vector<4096xi32>
    %reduce_sum3A_216 = vector.multi_reduction <add>, %mul3A_214, %reduce_sum3A_215 [1] : vector<4096x8xi32> to vector<4096xi32>
    %broadcast_in_dim3A_217 = vector.shape_cast %reduce_sum3A_216 : vector<4096xi32> to vector<4096x1xi32>
    %swap3A_218 = arith.constant 0 : index
    %swap3A_219 = arith.constant 0 : index
    %swap3A_220 = vector.load %arg4[%swap3A_218, %swap3A_219] : memref<4096x1xi32, #tpu.memory_space<vmem>>, vector<4096x1xi32>
    tpu.vector_store %arg4[%swap3A_218, %swap3A_219], %broadcast_in_dim3A_217 {strides = array<i32>} : memref<4096x1xi32, #tpu.memory_space<vmem>>, vector<4096x1xi32>,
    %mul3A_221 = arith.muli %convert_element_type3A_64, %add3A_213 : vector<4096x8xi32>
    %reduce_sum3A_222 = arith.constant dense<0> : vector<4096xi32>
    %reduce_sum3A_223 = vector.multi_reduction <add>, %mul3A_221, %reduce_sum3A_222 [1] : vector<4096x8xi32> to vector<4096xi32>
    %broadcast_in_dim3A_224 = vector.shape_cast %reduce_sum3A_223 : vector<4096xi32> to vector<4096x1xi32>
    %swap3A_225 = arith.constant 0 : index
    %swap3A_226 = arith.constant 0 : index
    %swap3A_227 = vector.load %arg5[%swap3A_225, %swap3A_226] : memref<4096x1xi32, #tpu.memory_space<vmem>>, vector<4096x1xi32>
    tpu.vector_store %arg5[%swap3A_225, %swap3A_226], %broadcast_in_dim3A_224 {strides = array<i32>} : memref<4096x1xi32, #tpu.memory_space<vmem>>, vector<4096x1xi32>,
    %add3A_228 = arith.addi %convert_element_type3A_211, %mul3A_204 : vector<1x8xi32>
    %iota3A_229 = tpu.iota {dimensions = array<i32: 0>} : vector<72x8xi32>
    %mul3A_230 = arith.constant 128 : i32
    %mul3A_231 = vector.broadcast %mul3A_230 : i32 to vector<72x8xi32>
    %mul3A_232 = arith.muli %iota3A_229, %mul3A_231 : vector<72x8xi32>
    %ge3A_233 = vector.broadcast %add3A_228 : vector<1x8xi32> to vector<72x8xi32>
    %ge3A_234 = arith.cmpi sge, %mul3A_232, %ge3A_233 : vector<72x8xi32>
    %convert_element_type3A_235 = arith.extui %ge3A_234 : vector<72x8xi1> to vector<72x8xi32>
    %reduce_sum3A_236 = arith.constant dense<0> : vector<72xi32>
    %reduce_sum3A_237 = vector.multi_reduction <add>, %convert_element_type3A_235, %reduce_sum3A_236 [1] : vector<72x8xi32> to vector<72xi32>
    %broadcast_in_dim3A_238 = vector.shape_cast %reduce_sum3A_237 : vector<72xi32> to vector<72x1xi32>
    %min3A = arith.constant 7 : i32
    %min3A_239 = vector.broadcast %min3A : i32 to vector<72x1xi32>
    %min3A_240 = arith.minsi %broadcast_in_dim3A_238, %min3A_239 : vector<72x1xi32>
    %swap3A_241 = arith.constant 0 : index
    %swap3A_242 = arith.constant 0 : index
    %swap3A_243 = vector.load %arg8[%swap3A_241, %swap3A_242] : memref<72x1xi32, #tpu.memory_space<vmem>>, vector<72x1xi32>
    tpu.vector_store %arg8[%swap3A_241, %swap3A_242], %min3A_240 {strides = array<i32>} : memref<72x1xi32, #tpu.memory_space<vmem>>, vector<72x1xi32>,
    return
  }
}

module attributes {stable_mosaic.version = 14 : i64} {
  func.func @_ffn_body(%arg0: i32, %arg1: i32, %arg2: memref<72xi32, #tpu.memory_space<smem>>, %arg3: memref<128x1024xf32, #tpu.memory_space<vmem>>, %arg4: memref<1x2048x1024xf32, #tpu.memory_space<vmem>>, %arg5: memref<1x1024x2048xf32, #tpu.memory_space<vmem>>, %arg6: memref<128x1024xf32, #tpu.memory_space<vmem>>) attributes {dimension_semantics = [#tpu.dimension_semantics<arbitrary>, #tpu.dimension_semantics<arbitrary>], iteration_bounds = array<i64: 72, 2>, scalar_prefetch = 1 : i64, scratch_operands = 0 : i64, tpu.core_type = #tpu.core_type<tc>, window_params = [{transform_indices = @transform_0, window_bounds = array<i64: 128, 1024>}, {transform_indices = @transform_1, window_bounds = array<i64: 1, 2048, 1024>}, {transform_indices = @transform_2, window_bounds = array<i64: 1, 1024, 2048>}, {transform_indices = @transform_3, window_bounds = array<i64: 128, 1024>}]} {
    %get3A = arith.constant 0 : index
    %get3A_0 = arith.constant 0 : index
    %get3A_1 = vector.load %arg3[%get3A, %get3A_0] : memref<128x1024xf32, #tpu.memory_space<vmem>>, vector<128x1024xf32>
    %convert_element_type3A = arith.truncf %get3A_1 : vector<128x1024xf32> to vector<128x1024xbf16>
    %get3A_2 = arith.constant 0 : index
    %get3A_3 = arith.constant 0 : index
    %get3A_4 = arith.constant 0 : index
    %get3A_5 = vector.load %arg4[%get3A_2, %get3A_3, %get3A_4] : memref<1x2048x1024xf32, #tpu.memory_space<vmem>>, vector<1x2048x1024xf32>
    %get3A_6 = vector.shape_cast %get3A_5 : vector<1x2048x1024xf32> to vector<2048x1024xf32>
    %convert_element_type3A_7 = arith.truncf %get3A_6 : vector<2048x1024xf32> to vector<2048x1024xbf16>
    %dot_general3A = arith.constant dense<0.000000e+00> : vector<128x2048xf32>
    %dot_general3A_8 = tpu.matmul %convert_element_type3A, %convert_element_type3A_7, %dot_general3A {dimension_numbers = #tpu.dot_dimension_numbers<[1], [1], [0], [0], [0, 0, 1, 0], [], []>, transpose_lhs_hint = false} : vector<128x1024xbf16>, vector<2048x1024xbf16>, vector<128x2048xf32> -> vector<128x2048xf32>
    %mul3A = arith.constant 5.000000e-01 : f32
    %mul3A_9 = vector.broadcast %mul3A : f32 to vector<128x2048xf32>
    %mul3A_10 = arith.mulf %mul3A_9, %dot_general3A_8 : vector<128x2048xf32>
    %mul3A_11 = arith.constant 0.707106769 : f32
    %mul3A_12 = vector.broadcast %mul3A_11 : f32 to vector<128x2048xf32>
    %mul3A_13 = arith.mulf %dot_general3A_8, %mul3A_12 : vector<128x2048xf32>
    %erf3A = math.erf %mul3A_13 : vector<128x2048xf32>
    %add3A = arith.constant 1.000000e+00 : f32
    %add3A_14 = vector.broadcast %add3A : f32 to vector<128x2048xf32>
    %add3A_15 = arith.addf %add3A_14, %erf3A : vector<128x2048xf32>
    %mul3A_16 = arith.mulf %mul3A_10, %add3A_15 : vector<128x2048xf32>
    %convert_element_type3A_17 = arith.truncf %mul3A_16 : vector<128x2048xf32> to vector<128x2048xbf16>
    %get3A_18 = arith.constant 0 : index
    %get3A_19 = arith.constant 0 : index
    %get3A_20 = arith.constant 0 : index
    %get3A_21 = vector.load %arg5[%get3A_18, %get3A_19, %get3A_20] : memref<1x1024x2048xf32, #tpu.memory_space<vmem>>, vector<1x1024x2048xf32>
    %get3A_22 = vector.shape_cast %get3A_21 : vector<1x1024x2048xf32> to vector<1024x2048xf32>
    %convert_element_type3A_23 = arith.truncf %get3A_22 : vector<1024x2048xf32> to vector<1024x2048xbf16>
    %dot_general3A_24 = arith.constant dense<0.000000e+00> : vector<128x1024xf32>
    %dot_general3A_25 = tpu.matmul %convert_element_type3A_17, %convert_element_type3A_23, %dot_general3A_24 {dimension_numbers = #tpu.dot_dimension_numbers<[1], [1], [0], [0], [0, 0, 1, 0], [], []>, transpose_lhs_hint = false} : vector<128x2048xbf16>, vector<1024x2048xbf16>, vector<128x1024xf32> -> vector<128x1024xf32>
    %eq3A = arith.constant 0 : i32
    %eq3A_26 = arith.cmpi eq, %arg1, %eq3A : i32
    %convert_element_type3A_27 = arith.extui %eq3A_26 : i1 to i32
    %cond3A = arith.constant 0 : i32
    %cond3A_28 = arith.cmpi ne, %convert_element_type3A_27, %cond3A : i32
    scf.if %cond3A_28 {
      %swap3A = arith.constant 0 : index
      %swap3A_33 = arith.constant 0 : index
      %swap3A_34 = vector.load %arg6[%swap3A, %swap3A_33] : memref<128x1024xf32, #tpu.memory_space<vmem>>, vector<128x1024xf32>
      tpu.vector_store %arg6[%swap3A, %swap3A_33], %dot_general3A_25 {strides = array<i32>} : memref<128x1024xf32, #tpu.memory_space<vmem>>, vector<128x1024xf32>,
    } else {
    }
    %ne3A = arith.constant 0 : i32
    %ne3A_29 = arith.cmpi ne, %arg1, %ne3A : i32
    %convert_element_type3A_30 = arith.extui %ne3A_29 : i1 to i32
    %cond3A_31 = arith.constant 0 : i32
    %cond3A_32 = arith.cmpi ne, %convert_element_type3A_30, %cond3A_31 : i32
    scf.if %cond3A_32 {
      %get3A_33 = arith.constant 0 : index
      %get3A_34 = arith.constant 0 : index
      %get3A_35 = vector.load %arg6[%get3A_33, %get3A_34] : memref<128x1024xf32, #tpu.memory_space<vmem>>, vector<128x1024xf32>
      %add3A_36 = arith.addf %get3A_35, %dot_general3A_25 : vector<128x1024xf32>
      %swap3A = arith.constant 0 : index
      %swap3A_37 = arith.constant 0 : index
      %swap3A_38 = vector.load %arg6[%swap3A, %swap3A_37] : memref<128x1024xf32, #tpu.memory_space<vmem>>, vector<128x1024xf32>
      tpu.vector_store %arg6[%swap3A, %swap3A_37], %add3A_36 {strides = array<i32>} : memref<128x1024xf32, #tpu.memory_space<vmem>>, vector<128x1024xf32>,
    } else {
    }
    return
  }
  func.func @transform_0(%arg0: i32, %arg1: i32, %arg2: memref<72xi32, #tpu.memory_space<smem>>) -> (i32, i32) {
    %c0_i32 = arith.constant 0 : i32
    %c0_i32_0 = arith.constant 0 : i32
    return %arg0, %c0_i32 : i32, i32
  }
  func.func @transform_1(%arg0: i32, %arg1: i32, %arg2: memref<72xi32, #tpu.memory_space<smem>>) -> (i32, i32, i32) {
    %get3A = arith.index_cast %arg0 : i32 to index
    %get3A_0 = memref.load %arg2[%get3A] : memref<72xi32, #tpu.memory_space<smem>>
    %c0_i32 = arith.constant 0 : i32
    %c0_i32_1 = arith.constant 0 : i32
    return %get3A_0, %arg1, %c0_i32 : i32, i32, i32
  }
  func.func @transform_2(%arg0: i32, %arg1: i32, %arg2: memref<72xi32, #tpu.memory_space<smem>>) -> (i32, i32, i32) {
    %get3A = arith.index_cast %arg0 : i32 to index
    %get3A_0 = memref.load %arg2[%get3A] : memref<72xi32, #tpu.memory_space<smem>>
    %c0_i32 = arith.constant 0 : i32
    %c0_i32_1 = arith.constant 0 : i32
    return %get3A_0, %c0_i32, %arg1 : i32, i32, i32
  }
  func.func @transform_3(%arg0: i32, %arg1: i32, %arg2: memref<72xi32, #tpu.memory_space<smem>>) -> (i32, i32) {
    %c0_i32 = arith.constant 0 : i32
    %c0_i32_0 = arith.constant 0 : i32
    return %arg0, %c0_i32 : i32, i32
  }
}

module attributes {stable_mosaic.version = 14 : i64} {
  func.func @_add_body(%arg0: i32, %arg1: memref<256x1024xf32, #tpu.memory_space<vmem>>, %arg2: memref<256x1024xf32, #tpu.memory_space<vmem>>, %arg3: memref<256x1xf32, #tpu.memory_space<vmem>>, %arg4: memref<256x1xf32, #tpu.memory_space<vmem>>, %arg5: memref<256x1024xf32, #tpu.memory_space<vmem>>) attributes {dimension_semantics = [#tpu.dimension_semantics<arbitrary>], iteration_bounds = array<i64: 16>, scalar_prefetch = 0 : i64, scratch_operands = 0 : i64, tpu.core_type = #tpu.core_type<tc>, window_params = [{transform_indices = @transform_0, window_bounds = array<i64: 256, 1024>}, {transform_indices = @transform_1, window_bounds = array<i64: 256, 1024>}, {transform_indices = @transform_2, window_bounds = array<i64: 256, 1>}, {transform_indices = @transform_3, window_bounds = array<i64: 256, 1>}, {transform_indices = @transform_4, window_bounds = array<i64: 256, 1024>}]} {
    %get3A = arith.constant 0 : index
    %get3A_0 = arith.constant 0 : index
    %get3A_1 = vector.load %arg1[%get3A, %get3A_0] : memref<256x1024xf32, #tpu.memory_space<vmem>>, vector<256x1024xf32>
    %get3A_2 = arith.constant 0 : index
    %get3A_3 = arith.constant 0 : index
    %get3A_4 = vector.load %arg3[%get3A_2, %get3A_3] : memref<256x1xf32, #tpu.memory_space<vmem>>, vector<256x1xf32>
    %mul3A = vector.broadcast %get3A_4 : vector<256x1xf32> to vector<256x1024xf32>
    %mul3A_5 = arith.mulf %get3A_1, %mul3A : vector<256x1024xf32>
    %get3A_6 = arith.constant 0 : index
    %get3A_7 = arith.constant 0 : index
    %get3A_8 = vector.load %arg2[%get3A_6, %get3A_7] : memref<256x1024xf32, #tpu.memory_space<vmem>>, vector<256x1024xf32>
    %get3A_9 = arith.constant 0 : index
    %get3A_10 = arith.constant 0 : index
    %get3A_11 = vector.load %arg4[%get3A_9, %get3A_10] : memref<256x1xf32, #tpu.memory_space<vmem>>, vector<256x1xf32>
    %mul3A_12 = vector.broadcast %get3A_11 : vector<256x1xf32> to vector<256x1024xf32>
    %mul3A_13 = arith.mulf %get3A_8, %mul3A_12 : vector<256x1024xf32>
    %add3A = arith.addf %mul3A_5, %mul3A_13 : vector<256x1024xf32>
    %swap3A = arith.constant 0 : index
    %swap3A_14 = arith.constant 0 : index
    %swap3A_15 = vector.load %arg5[%swap3A, %swap3A_14] : memref<256x1024xf32, #tpu.memory_space<vmem>>, vector<256x1024xf32>
    tpu.vector_store %arg5[%swap3A, %swap3A_14], %add3A {strides = array<i32>} : memref<256x1024xf32, #tpu.memory_space<vmem>>, vector<256x1024xf32>,
    return
  }
  func.func @transform_0(%arg0: i32) -> (i32, i32) {
    %c0_i32 = arith.constant 0 : i32
    %c0_i32_0 = arith.constant 0 : i32
    return %arg0, %c0_i32 : i32, i32
  }
  func.func @transform_1(%arg0: i32) -> (i32, i32) {
    %c0_i32 = arith.constant 0 : i32
    %c0_i32_0 = arith.constant 0 : i32
    return %arg0, %c0_i32 : i32, i32
  }
  func.func @transform_2(%arg0: i32) -> (i32, i32) {
    %c0_i32 = arith.constant 0 : i32
    %c0_i32_0 = arith.constant 0 : i32
    return %arg0, %c0_i32 : i32, i32
  }
  func.func @transform_3(%arg0: i32) -> (i32, i32) {
    %c0_i32 = arith.constant 0 : i32
    %c0_i32_0 = arith.constant 0 : i32
    return %arg0, %c0_i32 : i32, i32
  }
  func.func @transform_4(%arg0: i32) -> (i32, i32) {
    %c0_i32 = arith.constant 0 : i32
    %c0_i32_0 = arith.constant 0 : i32
    return %arg0, %c0_i32 : i32, i32
  }
}

</mosaic_0001>

<sc_bundles>
// kernel: kernel.10.cloned.1.call-start
scs
__scs_entry_jumppad:
0x0: {  	(pc) =	sbr.rel $0x88, $3  }
0x1: {  	(tag) =	ssettag $0x0;
	lr =	simm.s32 $0x1  }
0x2: {  	[smem:$0x3F9D] =	sst lr;
	_ =	strace $0xD0000000  }
0x3: {  	_ = 	snop  }
0x4: {  	_ = 	snop  }
0x5: {  	_ = 	snop  }
0x6: {  	_ = 	snop  }
0x7: {  	_ = 	snop  }
__scs_overlays_trampoline_lowered:
0x8: {  	[smem:$0x3FAC] =	sst s0  }
0x9: {  	[smem:$0x3FAD] =	sst s1  }
0xa: {  	[smem:$0x3FAE] =	sst s2  }
0xb: {  	[smem:$0x3FAF] =	sst s3  }
0xc: {  	[smem:$0x3FB0] =	sst s4  }
0xd: {  	[smem:$0x3FB1] =	sst s5  }
0xe: {  	[smem:$0x3FB2] =	sst s6  }
0xf: {  	[smem:$0x3FB3] =	sst s7  }
0x10: {  	[smem:$0x3FB4] =	sst s8  }
0x11: {  	[smem:$0x3FB5] =	sst s9;
	s0 =	simm.s32 @!p0 $0x0  }
0x12: {  	s1 =	sld [smem:$0x3F9B];
	s0 =	simm.s32 @p0 $0x1  }
0x13: {  	[smem:$0x3FB6] =	sst s0;
	s0 =	simm.s32 @!p1 $0x0  }
0x14: {  	s2 =	sld [smem:$0x3F9A];
	s0 =	simm.s32 @p1 $0x1  }
0x15: {  	[smem:$0x3FB7] =	sst s0;
	s0 =	simm.s32 @!p2 $0x0  }
0x16: {  	s3 =	sld [smem:$0x3FDB];
	s0 =	simm.s32 @p2 $0x1  }
0x17: {  	s4 =	simm.s32 $0x1BF5;
	[smem:$0x3FB9] =	sst s0  }
0x18: {  	s0 =	sld [smem:$0x3F9C];
	_ =	swait.ge [sflag:s4], $0x0  }
0x19: {  	s7 =	sld [smem:$0x3F9D]  }
0x1a: {  	s8 =	sadd.s32 $0xFFFFE003, lr  }
0x1b: {  	s9 =	sadd.s32 $0xFFFFFEF7, lr;
	s5 =	simm.s32 $0xFFFFFFFF;
	p2 =	slt.u32 s8, $0xFFFFF086  }
0x1c: {  	p1 =	slt.u32 s9, $0xF7A;
	s5 =	simm.s32 @!p2 $0x0  }
0x1d: {  	s5 =	simm.s32 @p1 $0x1;
	p0 =	seq.s32 s7, s2  }
0x1e: {  	s7 =	smul.u32 @!p0 $0xF7A, s2;
	p2 =	seq.s32 @!p0 s5, $0x0  }
0x1f: {  	s9 =	smul.u32 $0xF7A, s1;
	s8 =	simm.s32 @!p0 $0x1BF5;
	p2 =	por !p2, p0  }
0x20: {  	[sflag:s8] =	ssyncset.s32 @!p0 $0xFFFFF086;
	s6 =	sadd.s32 @!p0 s3, s7;
	s7 =	simm.s32 @!p0 $0x108  }
0x21: {  	s3 =	sadd.s32 s3, s9;
	s6 =	sadd.s32 @!p0 $0x88, s6;
	s7 =	simm.s32 @p2 $0x1082  }
0x22: {  	[simem:s7], [sflag:s8] =	dma.local @!p0 [hbm:s6], $0xF7A  }
0x23: {  	s9 =	sor.u32 $0xD0000000, s2;
	s6 =	simm.s32 $0x108;
	_ =	swait.ge @!p0 [sflag:s8], $0x0  }
0x24: {  	s3 =	sadd.s32 $0x88, s3;
	s6 =	simm.s32 @!p1 $0x1082;
	[sflag:s4] =	ssyncset.s32 $0xFFFFF086  }
0x25: {  	[simem:s6], [sflag:s4] =	dma.local [hbm:s3], $0xF7A  }
0x26: {  	[smem:$0x3F9D] =	sst s1;
	(tag) =	ssettag s2;
	_ =	strace s9  }
0x27: {  	s1 =	sld [smem:$0x3FAD]  }
0x28: {  	s2 =	sld [smem:$0x3FAE]  }
0x29: {  	s4 =	sld [smem:$0x3FB0]  }
0x2a: {  	p0 =	seq.s32 s5, $0x0;
	s5 =	sld [smem:$0x3FB1]  }
0x2b: {  	s6 =	sld [smem:$0x3FB2]  }
0x2c: {  	s7 =	sld [smem:$0x3FB3]  }
0x2d: {  	s3 =	simm.s32 $0x108;
	s8 =	sld [smem:$0x3FB4]  }
0x2e: {  	s3 =	simm.s32 @!p0 $0x1082;
	s9 =	sld [smem:$0x3FB5]  }
0x2f: {  	lr =	sadd.s32 s0, s3;
	s0 =	sld [smem:$0x3FAC]  }
0x30: {  	s3 =	sld [smem:$0x3FAF]  }
0x31: {  	[smem:$0x3FB8] =	sst s10  }
0x32: {  	s10 =	sld [smem:$0x3FB6];
	_ =	sdelay $0x3  }
0x33: {  	p0 =	seq.s32 s10, $0x1;
	s10 =	sld [smem:$0x3FB8];
	_ =	sdelay $0x3  }
0x34: {  	[smem:$0x3FB8] =	sst s10  }
0x35: {  	s10 =	sld [smem:$0x3FB7];
	_ =	sdelay $0x3  }
0x36: {  	p1 =	seq.s32 s10, $0x1;
	s10 =	sld [smem:$0x3FB8];
	_ =	sdelay $0x3  }
0x37: {  	[smem:$0x3FB8] =	sst s10  }
0x38: {  	s10 =	sld [smem:$0x3FB9]  }
0x39: {  	_ = 	snop;
	(pc) =	sbr.ind lr, $3  }
0x3a: {  	_ = 	snop  }
0x3b: {  	_ = 	snop  }
0x3c: {  	p2 =	seq.s32 s10, $0x1;
	s10 =	sld [smem:$0x3FB8]  }
0x3d: {  	_ =	shalt  }
0x3e: {  	_ =	shalt  }
0x3f: {  	_ =	shalt  }
0x40: {  	_ =	shalt  }
0x41: {  	_ =	shalt  }
0x42: {  	_ =	shalt  }
0x43: {  	_ =	shalt  }
0x44: {  	_ =	shalt  }
0x45: {  	_ =	shalt  }
0x46: {  	_ =	shalt  }
0x47: {  	_ =	shalt  }
0x48: {  	_ =	shalt  }
0x49: {  	_ =	shalt  }
0x4a: {  	_ =	shalt  }
0x4b: {  	_ =	shalt  }
0x4c: {  	_ =	shalt  }
0x4d: {  	_ =	shalt  }
0x4e: {  	_ =	shalt  }
0x4f: {  	_ =	shalt  }
0x50: {  	_ =	shalt  }
0x51: {  	_ =	shalt  }
0x52: {  	_ =	shalt  }
0x53: {  	_ =	shalt  }
0x54: {  	_ =	shalt  }
0x55: {  	_ =	shalt  }
0x56: {  	_ =	shalt  }
0x57: {  	_ =	shalt  }
0x58: {  	_ =	shalt  }
0x59: {  	_ =	shalt  }
0x5a: {  	_ =	shalt  }
0x5b: {  	_ =	shalt  }
0x5c: {  	_ =	shalt  }
0x5d: {  	_ =	shalt  }
0x5e: {  	_ =	shalt  }
0x5f: {  	_ =	shalt  }
0x60: {  	_ =	shalt  }
0x61: {  	_ =	shalt  }
0x62: {  	_ =	shalt  }
0x63: {  	_ =	shalt  }
0x64: {  	_ =	shalt  }
0x65: {  	_ =	shalt  }
0x66: {  	_ =	shalt  }
0x67: {  	_ =	shalt  }
0x68: {  	_ =	shalt  }
0x69: {  	_ =	shalt  }
0x6a: {  	_ =	shalt  }
0x6b: {  	_ =	shalt  }
0x6c: {  	_ =	shalt  }
0x6d: {  	_ =	shalt  }
0x6e: {  	_ =	shalt  }
0x6f: {  	_ =	shalt  }
0x70: {  	_ =	shalt  }
0x71: {  	_ =	shalt  }
0x72: {  	_ =	shalt  }
0x73: {  	_ =	shalt  }
0x74: {  	_ =	shalt  }
0x75: {  	_ =	shalt  }
0x76: {  	_ =	shalt  }
0x77: {  	_ =	shalt  }
0x78: {  	_ =	shalt  }
0x79: {  	_ =	shalt  }
0x7a: {  	_ =	shalt  }
0x7b: {  	_ =	shalt  }
0x7c: {  	_ =	shalt  }
0x7d: {  	_ =	shalt  }
0x7e: {  	_ =	shalt  }
0x7f: {  	_ =	shalt  }
0x80: {  	_ =	shalt  }
0x81: {  	_ =	shalt  }
0x82: {  	_ =	shalt  }
0x83: {  	_ =	shalt  }
0x84: {  	_ =	shalt  }
0x85: {  	_ =	shalt  }
0x86: {  	_ =	shalt  }
0x87: {  	_ =	shalt  }
.Lfunc_end0:
.L_simem_size_0:
called_computation.1_lowered:
.L_overlay_start_0:
0x88: {  	s2 =	sld [smem:$0x3FD9]  }
0x89: {  	s3 =	sld [smem:$0x3FFE];
	_ =	sdelay $0x1  }
0x8a: {  	s1 =	srdreg.scid  }
0x8b: {  	s0 =	sand.u32 $0x1, s1  }
0x8c: {  	s14 =	sshll.u32 s0, $0xA;
	s2 =	sadd.s32 s3, s2  }
0x8d: {  	s2 =	sadd.s32 s2, s14  }
0x8e: {  	[smem:$0x3FC4] =	sst s2  }
0x8f: {  	_ = 	snop  }
0x90: {  	s2 =	sld [smem:$0x3FD0];
	_ =	sdelay $0x2  }
0x91: {  	s15 =	simm.s32 $0xA;
	s4 =	simm.s32 $0x10  }
0x92: {  	[smem:s4], [sflag:s15] =	dma.local [hbm:s2], $0x1  }
0x93: {  	_ =	swait.eq [sflag:s15], $0x1  }
0x94: {  	[sflag:s15] =	ssyncset.done $0x0  }
0x95: {  	[sflag:s15] =	ssyncadd.s32 $0xFFFFFFFF  }
0x96: {  	s16 =	sld [smem:$0x10];
	(tm) =	ssettm $0x1  }
0x97: {  	s17 =	sld [smem:$0x3FFB];
	_ =	sdelay $0x3  }
0x98: {  	_ =	strace s17  }
0x99: {  	s3 =	sld [smem:$0x3FFC];
	_ =	sdelay $0x3  }
0x9a: {  	_ =	strace s3  }
0x9b: {  	s3 =	sld [smem:$0x3FFD];
	_ =	sdelay $0x3  }
0x9c: {  	_ =	strace s3  }
0x9d: {  	_ =	strace $0x8FFFFFFF  }
0x9e: {  	s18 =	sld [smem:$0x3FDB];
	_ =	sdelay $0x1  }
0x9f: {  	s19 =	simm.s32 $_scs_section_size  }
0xa0: {  	s5 =	simm.s32 $_size__tile_overlayer_lowered;
	s6 =	simm.s32 $_tile_overlayer_lowered  }
0xa1: {  	s22 =	simm.s32 $0x1BFF;
	s21 =	sshll.u32 s6, $0x1;
	s3 =	sadd.s32 s19, s18  }
0xa2: {  	s7 =	simm.s32 $0x0;
	s20 =	sshll.u32 s5, $0x1;
	s5 =	sadd.s32 s21, s3  }
0xa3: {  	[timem:s7], [sflag:s22] =	dma.local [hbm:s5], s20  }
0xa4: {  	_ =	swait.ge [sflag:s22], s20  }
0xa5: {  	s4 =	ssub.s32 $0x0, s20;
	[sflag:s22] =	ssyncset.done $0x0  }
0xa6: {  	[sflag:s22] =	ssyncadd.s32 s4;
	_ =	sdelay $0x1  }
0xa7: {  	s23 =	simm.s32 $0x1B8B  }
0xa8: {  	_ =	swait.ge [sflag:s23], $0x1  }
0xa9: {  	[sflag:s23] =	ssyncset.done $0x0  }
0xaa: {  	s25 =	simm.s32 $0x1B8E;
	s24 =	sld [smem:$0x3FFE];
	[sflag:s23] =	ssyncadd.s32 $0xFFFFFFFF  }
0xab: {  	s26 =	simm.s32 $execute0_lowered;
	[smem:$0x3FD2] =	sst s25  }
0xac: {  	s5 =	sshll.u32 s26, $0x1;
	_ =	strace $0x80000049;
	[dreg:$0x1] =	wrdreg $0xFFFFFFFF  }
0xad: {  	s28 =	simm.s32 $_size_execute0_lowered;
	s3 =	sadd.s32 s3, s5;
	[dreg:$0x0] =	wrdreg $0x0  }
0xae: {  	s5 =	sshll.u32 s28, $0x1;
	[dreg:$0x2] =	wrdreg s3  }
0xaf: {  	[dreg:$0x3] =	wrdreg s5  }
0xb0: {  	[dreg:$0x4] =	wrdreg $0xC0  }
0xb1: {  	_ =	task [dreg:s7], $0x5FFFF  }
0xb2: {  	[dreg:$0x1] =	wrdreg $0xFFFFFFFF  }
0xb3: {  	[dreg:$0x0] =	wrdreg $0x60  }
0xb4: {  	[dreg:$0x2] =	wrdreg s24  }
0xb5: {  	[dreg:$0x3] =	wrdreg s16  }
0xb6: {  	[dreg:$0x4] =	wrdreg $0x9  }
0xb7: {  	_ =	task.clear_ibuf [dreg:s7], $0x5FFFF;
	_ =	strace $0x90000049  }
0xb8: {  	s29 =	simm.s32 $0x9;
	_ =	strace $0x8000004B  }
0xb9: {  	_ =	swait.ge [sflag:s29], $0x1  }
0xba: {  	[sflag:s29] =	ssyncadd.s32 $0xFFFFFFFF  }
0xbb: {  	_ =	strace $0x9000004B  }
0xbc: {  	_ =	sfence  }
0xbd: {  	s30 =	sld [smem:$0x0];
	_ =	sdelay $0x2  }
0xbe: {  	s31 =	sshll.u32 s1, $0xD;
	s1 =	sshrl.u32 s1, $0x2  }
0xbf: {  	s3 =	sand.u32 $0x4000, s31;
	s1 =	sadd.s32 s1, s30  }
0xc0: {  	s0 =	sor.u32 s3, s0;
	s1 =	sshll.u32 s1, $0x11  }
0xc1: {  	s0 =	sor.u32 s1, s0  }
0xc2: {  	s0 =	sadd.s32 $0x8F2B, s0  }
0xc3: {  	[sflag:s0] =	ssyncadd.remote.s32 $0x1  }
0xc4: {  	_ =	sfence.sel $0xFFFF  }
0xc5: {  	[dreg:$0x0] =	wrdreg $0xFFFFFFFF;
	(pc) =	sbr.abs _section_cstart, $3  }
0xc6: {  	[dreg:$0x1] =	wrdreg $0xFFFFFFFF  }
0xc7: {  	_ =	task.clear_ibuf [dreg:s7], $0x2FFFF;
	_ =	strace $0x9FFFFFFF  }
0xc8: {  	(tm) =	ssettm $0x7FFFFFFF  }
0xc9: {  	_ =	shalt  }
tec
execute0_lowered:
.L_overlay_start_1:
0x0: {  	(tag) =	ssettag $0x1  }
0x1: {  	s0 =	rddreg [dreg:$0x0];
	s2 =	srdreg.scid  }
0x2: {  	s1 =	rddreg [dreg:$0x1];
	s3 =	stileid.u32;
	s4 =	sand.u32 $0x1, s2  }
0x3: {  	s2 =	simm.s32 $0x0;
	s3 =	sshll.u32 s3, $0x8;
	s6 =	sadd.s32 $0x800, s0  }
0x4: {  	s7 =	sadd.s32 $0xA00, s0;
	s8 =	sadd.s32 $0x44A00, s0;
	s5 =	sshll.u32 s4, $0x7  }
0x5: {  	[smem:$0x7FF] =	sst s2;
	s4 =	ssub.s32 $0x2, s4;
	s5 =	sor.u32 s5, s3  }
0x6: {  	_ =	strace $0x8000004A;
	s28 =	sshrl.u32 s4, $0x1;
	s3 =	sshrl.u32 s5, $0x3  }
0x7: {  	s13 =	sshll.u32 s5, $0x7;
	s10 =	sor.u32 $0x20, s5;
	s9 =	sadd.s32 s6, s3  }
0x8: {  	s18 =	sor.u32 $0x40, s5;
	s3 =	sadd.s32 s7, s3;
	[dreg:$0x3] =	wrdreg s9  }
0x9: {  	s5 =	sor.u32 $0x60, s5;
	s14 =	sadd.s32 s1, s13;
	[dreg:$0x4] =	wrdreg s3  }
0xa: {  	s11 =	sshrl.u32 s10, $0x3;
	[dreg:$0x5] =	wrdreg s14;
	s9 =	sadd.s32 s8, s13  }
0xb: {  	s30 =	ssub.s32 s4, s28;
	s15 =	sadd.s32 s6, s11;
	[dreg:$0x6] =	wrdreg s9  }
0xc: {  	s10 =	sshll.u32 s10, $0x7;
	s16 =	sadd.s32 s7, s11;
	[dreg:$0x7] =	wrdreg s15  }
0xd: {  	s4 =	sadd.s32 $0x164B00, s0;
	s17 =	sadd.s32 s1, s10;
	[dreg:$0x8] =	wrdreg s16  }
0xe: {  	s20 =	sshrl.u32 s18, $0x3;
	s19 =	sadd.s32 s8, s10;
	[dreg:$0x9] =	wrdreg s17  }
0xf: {  	s23 =	sshll.u32 s18, $0x7;
	s21 =	sadd.s32 s6, s20;
	[dreg:$0xa] =	wrdreg s19  }
0x10: {  	s26 =	sshrl.u32 s5, $0x3;
	s22 =	sadd.s32 s7, s20;
	[dreg:$0xb] =	wrdreg s21  }
0x11: {  	s5 =	sshll.u32 s5, $0x7;
	s24 =	sadd.s32 s1, s23;
	[dreg:$0xc] =	wrdreg s22  }
0x12: {  	s18 =	simm.s32 $0x1;
	s25 =	sadd.s32 s8, s23;
	[dreg:$0xd] =	wrdreg s24  }
0x13: {  	s3 =	sadd.s32 $0x164A00, s0;
	s6 =	sadd.s32 s6, s26;
	[dreg:$0xe] =	wrdreg s25  }
0x14: {  	s29 =	sadd.s32 s7, s26;
	s1 =	sadd.s32 s1, s5;
	[dreg:$0xf] =	wrdreg s6  }
0x15: {  	v2 =	vlaneseq.u32;
	s31 =	sadd.s32 s8, s5;
	s5 =	sadd.s32 $0x164C00, s0;
	[dreg:$0x10] =	wrdreg s29  }
0x16: {  	vm0 =	vmmov $0xffff;
	v1 =	vshrl.u32 v2, $0x3;
	s7 =	smax.u32 s30, $0x1;
	s23 =	simm.s32 $0x8000;
	[dreg:$0x11] =	wrdreg s1  }
0x17: {  	v0 =	vand.u32 $0x7, v2;
	v2 =	vor.u32 $0x8, v2;
	v1 =	vmul.u32 $0x8, v1;
	s6 =	sadd.s32 $0x164D00, s0;
	[dreg:$0x12] =	wrdreg s31;
	s9 =	simm.s32 $0x2  }
.LBB2_1:
0x18: {  	s19 =	rddreg [dreg:$0x3];
	s0 =	simm.s32 $0x10000  }
0x19: {  	[tilespmem:s0], [sflag:$0x2] =	stream.linear.gather [hbm4b:s19+s2], $0x20, $0x38;
	[tilespmem:$0x10100] =	vst v63  }
0x1a: {  	_ =	swait.ge [sflag:s9], $0x20  }
0x1b: {  	[sflag:s9] =	ssyncset.done $0x0  }
0x1c: {  	s10 =	simm.s32 $0x10080;
	s8 =	rddreg [dreg:$0x4];
	[sflag:s9] =	ssyncadd.s32 $0xFFFFFFE0  }
0x1d: {  	[tilespmem:s10], [sflag:$0x2] =	stream.linear.gather [hbm4b:s8+s2], $0x20, $0x38;
	[tilespmem:$0x10100] =	vst v63  }
0x1e: {  	_ =	swait.ge [sflag:s9], $0x20  }
0x1f: {  	[sflag:s9] =	ssyncset.done $0x0  }
0x20: {  	[sflag:s9] =	ssyncadd.s32 $0xFFFFFFE0  }
0x21: {  	v3 =	vld [tilespmem:$0x10000];
	_ =	sdelay $0x4  }
0x22: {  	v4 =	vshll.u32 v3, $0x3  }
0x23: {  	v3 =	vand.u32 $0x7, v3;
	v4 =	vand.u32 $0xFFFFFFC0, v4  }
0x24: {  	v3 =	vor.u32 v3, v4  }
0x25: {  	v4 =	vperm.xlane v3, v0;
	_ =	sdelay $0x1  }
0x26: {  	v4 =	vadd.s32 v1, v4;
	_ =	sdelay $0x4  }
0x27: {  	[tilespmem:s2], [sflag:$0x1] =	stream.indirect_vreg.gather [hbm4b:s3+s2], $0x80, v4, vm0, $0xb8;
	[tilespmem:$0x10100] =	vst v63  }
0x28: {  	s11 =	simm.s32 $0x800;
	v3 =	vperm.xlane v3, v2  }
0x29: {  	[tilespmem:s11], [sflag:$0x1] =	stream.indirect_vreg.gather [hbm4b:s4+s2], $0x80, v4, vm0, $0xb8;
	[tilespmem:$0x10100] =	vst v63  }
0x2a: {  	s12 =	simm.s32 $0x1000;
	v3 =	vadd.s32 v1, v3  }
0x2b: {  	[tilespmem:s12], [sflag:$0x1] =	stream.indirect_vreg.gather [hbm4b:s5+s2], $0x80, v4, vm0, $0xb8;
	[tilespmem:$0x10100] =	vst v63  }
0x2c: {  	s13 =	simm.s32 $0x1800  }
0x2d: {  	[tilespmem:s13], [sflag:$0x1] =	stream.indirect_vreg.gather [hbm4b:s6+s2], $0x80, v4, vm0, $0xb8;
	[tilespmem:$0x10100] =	vst v63  }
0x2e: {  	s16 =	simm.s32 $0x2000  }
0x2f: {  	[tilespmem:s16], [sflag:$0x1] =	stream.indirect_vreg.gather [hbm4b:s3+s2], $0x80, v3, vm0, $0xb8;
	[tilespmem:$0x10100] =	vst v63  }
0x30: {  	s17 =	simm.s32 $0x2800  }
0x31: {  	[tilespmem:s17], [sflag:$0x1] =	stream.indirect_vreg.gather [hbm4b:s4+s2], $0x80, v3, vm0, $0xb8;
	[tilespmem:$0x10100] =	vst v63  }
0x32: {  	s19 =	simm.s32 $0x3000  }
0x33: {  	[tilespmem:s19], [sflag:$0x1] =	stream.indirect_vreg.gather [hbm4b:s5+s2], $0x80, v3, vm0, $0xb8;
	[tilespmem:$0x10100] =	vst v63  }
0x34: {  	s20 =	simm.s32 $0x3800  }
0x35: {  	[tilespmem:s20], [sflag:$0x1] =	stream.indirect_vreg.gather [hbm4b:s6+s2], $0x80, v3, vm0, $0xb8;
	[tilespmem:$0x10100] =	vst v63  }
0x36: {  	v3 =	vld [tilespmem:$0x10010];
	_ =	sdelay $0x4  }
0x37: {  	v49 =	vshll.u32 v3, $0x3  }
0x38: {  	v3 =	vand.u32 $0x7, v3;
	v4 =	vand.u32 $0xFFFFFFC0, v49  }
0x39: {  	v3 =	vor.u32 v3, v4  }
0x3a: {  	v4 =	vperm.xlane v3, v0;
	_ =	sdelay $0x1  }
0x3b: {  	v4 =	vadd.s32 v1, v4;
	_ =	sdelay $0x3  }
0x3c: {  	s21 =	simm.s32 $0x4000  }
0x3d: {  	[tilespmem:s21], [sflag:$0x1] =	stream.indirect_vreg.gather [hbm4b:s3+s2], $0x80, v4, vm0, $0xb8;
	[tilespmem:$0x10100] =	vst v63  }
0x3e: {  	s22 =	simm.s32 $0x4800;
	v3 =	vperm.xlane v3, v2  }
0x3f: {  	[tilespmem:s22], [sflag:$0x1] =	stream.indirect_vreg.gather [hbm4b:s4+s2], $0x80, v4, vm0, $0xb8;
	[tilespmem:$0x10100] =	vst v63  }
0x40: {  	s24 =	simm.s32 $0x5000;
	v3 =	vadd.s32 v1, v3  }
0x41: {  	[tilespmem:s24], [sflag:$0x1] =	stream.indirect_vreg.gather [hbm4b:s5+s2], $0x80, v4, vm0, $0xb8;
	[tilespmem:$0x10100] =	vst v63  }
0x42: {  	s25 =	simm.s32 $0x5800  }
0x43: {  	[tilespmem:s25], [sflag:$0x1] =	stream.indirect_vreg.gather [hbm4b:s6+s2], $0x80, v4, vm0, $0xb8;
	[tilespmem:$0x10100] =	vst v63  }
0x44: {  	s26 =	simm.s32 $0x6000  }
0x45: {  	[tilespmem:s26], [sflag:$0x1] =	stream.indirect_vreg.gather [hbm4b:s3+s2], $0x80, v3, vm0, $0xb8;
	[tilespmem:$0x10100] =	vst v63  }
0x46: {  	s28 =	simm.s32 $0x6800  }
0x47: {  	[tilespmem:s28], [sflag:$0x1] =	stream.indirect_vreg.gather [hbm4b:s4+s2], $0x80, v3, vm0, $0xb8;
	[tilespmem:$0x10100] =	vst v63  }
0x48: {  	s29 =	simm.s32 $0x7000  }
0x49: {  	[tilespmem:s29], [sflag:$0x1] =	stream.indirect_vreg.gather [hbm4b:s5+s2], $0x80, v3, vm0, $0xb8;
	[tilespmem:$0x10100] =	vst v63  }
0x4a: {  	s30 =	simm.s32 $0x7800  }
0x4b: {  	[tilespmem:s30], [sflag:$0x1] =	stream.indirect_vreg.gather [hbm4b:s6+s2], $0x80, v3, vm0, $0xb8;
	[tilespmem:$0x10100] =	vst v63  }
0x4c: {  	v3 =	vld [tilespmem:$0x10080];
	_ =	sdelay $0x4  }
0x4d: {  	v50 =	vshll.u32 v3, $0x3  }
0x4e: {  	v3 =	vand.u32 $0x7, v3;
	v4 =	vand.u32 $0xFFFFFFC0, v50  }
0x4f: {  	v3 =	vor.u32 v3, v4  }
0x50: {  	v4 =	vperm.xlane v3, v0;
	_ =	sdelay $0x1  }
0x51: {  	v4 =	vadd.s32 v1, v4;
	_ =	sdelay $0x4  }
0x52: {  	[tilespmem:s23], [sflag:$0x1] =	stream.indirect_vreg.gather [hbm4b:s3+s2], $0x80, v4, vm0, $0xb8;
	[tilespmem:$0x10100] =	vst v63  }
0x53: {  	s31 =	simm.s32 $0x8800;
	v3 =	vperm.xlane v3, v2  }
0x54: {  	[tilespmem:s31], [sflag:$0x1] =	stream.indirect_vreg.gather [hbm4b:s4+s2], $0x80, v4, vm0, $0xb8;
	[tilespmem:$0x10100] =	vst v63  }
0x55: {  	s16 =	simm.s32 $0x9000;
	v3 =	vadd.s32 v1, v3  }
0x56: {  	[tilespmem:s16], [sflag:$0x1] =	stream.indirect_vreg.gather [hbm4b:s5+s2], $0x80, v4, vm0, $0xb8;
	[tilespmem:$0x10100] =	vst v63  }
0x57: {  	s17 =	simm.s32 $0x9800  }
0x58: {  	[tilespmem:s17], [sflag:$0x1] =	stream.indirect_vreg.gather [hbm4b:s6+s2], $0x80, v4, vm0, $0xb8;
	[tilespmem:$0x10100] =	vst v63  }
0x59: {  	s19 =	simm.s32 $0xA000  }
0x5a: {  	[tilespmem:s19], [sflag:$0x1] =	stream.indirect_vreg.gather [hbm4b:s3+s2], $0x80, v3, vm0, $0xb8;
	[tilespmem:$0x10100] =	vst v63  }
0x5b: {  	s20 =	simm.s32 $0xA800  }
0x5c: {  	[tilespmem:s20], [sflag:$0x1] =	stream.indirect_vreg.gather [hbm4b:s4+s2], $0x80, v3, vm0, $0xb8;
	[tilespmem:$0x10100] =	vst v63  }
0x5d: {  	s21 =	simm.s32 $0xB000  }
0x5e: {  	[tilespmem:s21], [sflag:$0x1] =	stream.indirect_vreg.gather [hbm4b:s5+s2], $0x80, v3, vm0, $0xb8;
	[tilespmem:$0x10100] =	vst v63  }
0x5f: {  	s22 =	simm.s32 $0xB800  }
0x60: {  	[tilespmem:s22], [sflag:$0x1] =	stream.indirect_vreg.gather [hbm4b:s6+s2], $0x80, v3, vm0, $0xb8;
	[tilespmem:$0x10100] =	vst v63  }
0x61: {  	v3 =	vld [tilespmem:$0x10090];
	_ =	sdelay $0x4  }
0x62: {  	v51 =	vshll.u32 v3, $0x3  }
0x63: {  	v3 =	vand.u32 $0x7, v3;
	v4 =	vand.u32 $0xFFFFFFC0, v51  }
0x64: {  	v3 =	vor.u32 v3, v4  }
0x65: {  	v4 =	vperm.xlane v3, v0;
	_ =	sdelay $0x1  }
0x66: {  	v4 =	vadd.s32 v1, v4;
	_ =	sdelay $0x3  }
0x67: {  	s24 =	simm.s32 $0xC000  }
0x68: {  	[tilespmem:s24], [sflag:$0x1] =	stream.indirect_vreg.gather [hbm4b:s3+s2], $0x80, v4, vm0, $0xb8;
	[tilespmem:$0x10100] =	vst v63  }
0x69: {  	s26 =	simm.s32 $0xC800;
	v3 =	vperm.xlane v3, v2  }
0x6a: {  	[tilespmem:s26], [sflag:$0x1] =	stream.indirect_vreg.gather [hbm4b:s4+s2], $0x80, v4, vm0, $0xb8;
	[tilespmem:$0x10100] =	vst v63  }
0x6b: {  	s30 =	simm.s32 $0xD000;
	v3 =	vadd.s32 v1, v3  }
0x6c: {  	[tilespmem:s30], [sflag:$0x1] =	stream.indirect_vreg.gather [hbm4b:s5+s2], $0x80, v4, vm0, $0xb8;
	[tilespmem:$0x10100] =	vst v63  }
0x6d: {  	s31 =	simm.s32 $0xD800  }
0x6e: {  	[tilespmem:s31], [sflag:$0x1] =	stream.indirect_vreg.gather [hbm4b:s6+s2], $0x80, v4, vm0, $0xb8;
	[tilespmem:$0x10100] =	vst v63  }
0x6f: {  	s0 =	simm.s32 $0xE000  }
0x70: {  	[tilespmem:s0], [sflag:$0x1] =	stream.indirect_vreg.gather [hbm4b:s3+s2], $0x80, v3, vm0, $0xb8;
	[tilespmem:$0x10100] =	vst v63  }
0x71: {  	s16 =	simm.s32 $0xE800  }
0x72: {  	[tilespmem:s16], [sflag:$0x1] =	stream.indirect_vreg.gather [hbm4b:s4+s2], $0x80, v3, vm0, $0xb8;
	[tilespmem:$0x10100] =	vst v63  }
0x73: {  	s17 =	simm.s32 $0xF000  }
0x74: {  	[tilespmem:s17], [sflag:$0x1] =	stream.indirect_vreg.gather [hbm4b:s5+s2], $0x80, v3, vm0, $0xb8;
	[tilespmem:$0x10100] =	vst v63  }
0x75: {  	s24 =	simm.s32 $0xF800  }
0x76: {  	[tilespmem:s24], [sflag:$0x1] =	stream.indirect_vreg.gather [hbm4b:s6+s2], $0x80, v3, vm0, $0xb8;
	[tilespmem:$0x10100] =	vst v63  }
0x77: {  	_ =	swait.ge [sflag:s18], $0x8000  }
0x78: {  	[sflag:s18] =	ssyncset.done $0x0  }
0x79: {  	[sflag:s18] =	ssyncadd.s32 $0xFFFF8000  }
0x7a: {  	_ =	swait.ge [sflag:s18], $0x8000  }
0x7b: {  	[sflag:s18] =	ssyncset.done $0x0  }
0x7c: {  	s26 =	rddreg [dreg:$0x5];
	[sflag:s18] =	ssyncadd.s32 $0xFFFF8000  }
0x7d: {  	[hbm4b:s26+s2] =	stream.linear.scatter [tilespmem:s2], [sflag:$0x2], $0x8000, $0x38;
	[tilespmem:$0x10100] =	vst v63  }
0x7e: {  	_ =	swait.ge [sflag:s9], $0x8000  }
0x7f: {  	[sflag:s9] =	ssyncset.done $0x0  }
0x80: {  	s0 =	rddreg [dreg:$0x6];
	[sflag:s9] =	ssyncadd.s32 $0xFFFF8000  }
0x81: {  	[hbm4b:s0+s2] =	stream.linear.scatter [tilespmem:s23], [sflag:$0x2], $0x8000, $0x38;
	[tilespmem:$0x10100] =	vst v63  }
0x82: {  	_ =	swait.ge [sflag:s9], $0x8000  }
0x83: {  	[sflag:s9] =	ssyncset.done $0x0  }
0x84: {  	s14 =	simm.s32 $0x10000;
	s16 =	rddreg [dreg:$0x7];
	[sflag:s9] =	ssyncadd.s32 $0xFFFF8000  }
0x85: {  	[tilespmem:s14], [sflag:$0x2] =	stream.linear.gather [hbm4b:s16+s2], $0x20, $0x38;
	[tilespmem:$0x10100] =	vst v63  }
0x86: {  	_ =	swait.ge [sflag:s9], $0x20  }
0x87: {  	[sflag:s9] =	ssyncset.done $0x0  }
0x88: {  	s15 =	simm.s32 $0x10080;
	s17 =	rddreg [dreg:$0x8];
	[sflag:s9] =	ssyncadd.s32 $0xFFFFFFE0  }
0x89: {  	[tilespmem:s15], [sflag:$0x2] =	stream.linear.gather [hbm4b:s17+s2], $0x20, $0x38;
	[tilespmem:$0x10100] =	vst v63  }
0x8a: {  	_ =	swait.ge [sflag:s9], $0x20  }
0x8b: {  	[sflag:s9] =	ssyncset.done $0x0  }
0x8c: {  	[sflag:s9] =	ssyncadd.s32 $0xFFFFFFE0  }
0x8d: {  	v3 =	vld [tilespmem:$0x10000];
	_ =	sdelay $0x4  }
0x8e: {  	v52 =	vshll.u32 v3, $0x3  }
0x8f: {  	v3 =	vand.u32 $0x7, v3;
	v4 =	vand.u32 $0xFFFFFFC0, v52  }
0x90: {  	v3 =	vor.u32 v3, v4  }
0x91: {  	v4 =	vperm.xlane v3, v0;
	_ =	sdelay $0x1  }
0x92: {  	v4 =	vadd.s32 v1, v4;
	_ =	sdelay $0x4  }
0x93: {  	[tilespmem:s2], [sflag:$0x1] =	stream.indirect_vreg.gather [hbm4b:s3+s2], $0x80, v4, vm0, $0xb8;
	[tilespmem:$0x10100] =	vst v63  }
0x94: {  	s16 =	simm.s32 $0x800;
	v3 =	vperm.xlane v3, v2  }
0x95: {  	[tilespmem:s16], [sflag:$0x1] =	stream.indirect_vreg.gather [hbm4b:s4+s2], $0x80, v4, vm0, $0xb8;
	[tilespmem:$0x10100] =	vst v63  }
0x96: {  	s1 =	simm.s32 $0x1000;
	v3 =	vadd.s32 v1, v3  }
0x97: {  	[tilespmem:s1], [sflag:$0x1] =	stream.indirect_vreg.gather [hbm4b:s5+s2], $0x80, v4, vm0, $0xb8;
	[tilespmem:$0x10100] =	vst v63  }
0x98: {  	s8 =	simm.s32 $0x1800  }
0x99: {  	[tilespmem:s8], [sflag:$0x1] =	stream.indirect_vreg.gather [hbm4b:s6+s2], $0x80, v4, vm0, $0xb8;
	[tilespmem:$0x10100] =	vst v63  }
0x9a: {  	s10 =	simm.s32 $0x2000  }
0x9b: {  	[tilespmem:s10], [sflag:$0x1] =	stream.indirect_vreg.gather [hbm4b:s3+s2], $0x80, v3, vm0, $0xb8;
	[tilespmem:$0x10100] =	vst v63  }
0x9c: {  	s11 =	simm.s32 $0x2800  }
0x9d: {  	[tilespmem:s11], [sflag:$0x1] =	stream.indirect_vreg.gather [hbm4b:s4+s2], $0x80, v3, vm0, $0xb8;
	[tilespmem:$0x10100] =	vst v63  }
0x9e: {  	s12 =	simm.s32 $0x3000  }
0x9f: {  	[tilespmem:s12], [sflag:$0x1] =	stream.indirect_vreg.gather [hbm4b:s5+s2], $0x80, v3, vm0, $0xb8;
	[tilespmem:$0x10100] =	vst v63  }
0xa0: {  	s26 =	simm.s32 $0x3800  }
0xa1: {  	[tilespmem:s26], [sflag:$0x1] =	stream.indirect_vreg.gather [hbm4b:s6+s2], $0x80, v3, vm0, $0xb8;
	[tilespmem:$0x10100] =	vst v63  }
0xa2: {  	v3 =	vld [tilespmem:$0x10010];
	_ =	sdelay $0x4  }
0xa3: {  	v53 =	vshll.u32 v3, $0x3  }
0xa4: {  	v3 =	vand.u32 $0x7, v3;
	v4 =	vand.u32 $0xFFFFFFC0, v53  }
0xa5: {  	v3 =	vor.u32 v3, v4  }
0xa6: {  	v4 =	vperm.xlane v3, v0;
	_ =	sdelay $0x1  }
0xa7: {  	v4 =	vadd.s32 v1, v4;
	_ =	sdelay $0x3  }
0xa8: {  	s17 =	simm.s32 $0x4000  }
0xa9: {  	[tilespmem:s17], [sflag:$0x1] =	stream.indirect_vreg.gather [hbm4b:s3+s2], $0x80, v4, vm0, $0xb8;
	[tilespmem:$0x10100] =	vst v63  }
0xaa: {  	s13 =	simm.s32 $0x4800;
	v3 =	vperm.xlane v3, v2  }
0xab: {  	[tilespmem:s13], [sflag:$0x1] =	stream.indirect_vreg.gather [hbm4b:s4+s2], $0x80, v4, vm0, $0xb8;
	[tilespmem:$0x10100] =	vst v63  }
0xac: {  	s0 =	simm.s32 $0x5000;
	v3 =	vadd.s32 v1, v3  }
0xad: {  	[tilespmem:s0], [sflag:$0x1] =	stream.indirect_vreg.gather [hbm4b:s5+s2], $0x80, v4, vm0, $0xb8;
	[tilespmem:$0x10100] =	vst v63  }
0xae: {  	s1 =	simm.s32 $0x5800  }
0xaf: {  	[tilespmem:s1], [sflag:$0x1] =	stream.indirect_vreg.gather [hbm4b:s6+s2], $0x80, v4, vm0, $0xb8;
	[tilespmem:$0x10100] =	vst v63  }
0xb0: {  	s8 =	simm.s32 $0x6000  }
0xb1: {  	[tilespmem:s8], [sflag:$0x1] =	stream.indirect_vreg.gather [hbm4b:s3+s2], $0x80, v3, vm0, $0xb8;
	[tilespmem:$0x10100] =	vst v63  }
0xb2: {  	s10 =	simm.s32 $0x6800  }
0xb3: {  	[tilespmem:s10], [sflag:$0x1] =	stream.indirect_vreg.gather [hbm4b:s4+s2], $0x80, v3, vm0, $0xb8;
	[tilespmem:$0x10100] =	vst v63  }
0xb4: {  	s11 =	simm.s32 $0x7000  }
0xb5: {  	[tilespmem:s11], [sflag:$0x1] =	stream.indirect_vreg.gather [hbm4b:s5+s2], $0x80, v3, vm0, $0xb8;
	[tilespmem:$0x10100] =	vst v63  }
0xb6: {  	s14 =	simm.s32 $0x7800  }
0xb7: {  	[tilespmem:s14], [sflag:$0x1] =	stream.indirect_vreg.gather [hbm4b:s6+s2], $0x80, v3, vm0, $0xb8;
	[tilespmem:$0x10100] =	vst v63  }
0xb8: {  	v3 =	vld [tilespmem:$0x10080];
	_ =	sdelay $0x4  }
0xb9: {  	v54 =	vshll.u32 v3, $0x3  }
0xba: {  	v3 =	vand.u32 $0x7, v3;
	v4 =	vand.u32 $0xFFFFFFC0, v54  }
0xbb: {  	v3 =	vor.u32 v3, v4  }
0xbc: {  	v4 =	vperm.xlane v3, v0;
	_ =	sdelay $0x1  }
0xbd: {  	v4 =	vadd.s32 v1, v4;
	_ =	sdelay $0x4  }
0xbe: {  	[tilespmem:s23], [sflag:$0x1] =	stream.indirect_vreg.gather [hbm4b:s3+s2], $0x80, v4, vm0, $0xb8;
	[tilespmem:$0x10100] =	vst v63  }
0xbf: {  	s15 =	simm.s32 $0x8800;
	v3 =	vperm.xlane v3, v2  }
0xc0: {  	[tilespmem:s15], [sflag:$0x1] =	stream.indirect_vreg.gather [hbm4b:s4+s2], $0x80, v4, vm0, $0xb8;
	[tilespmem:$0x10100] =	vst v63  }
0xc1: {  	s12 =	simm.s32 $0x9000;
	v3 =	vadd.s32 v1, v3  }
0xc2: {  	[tilespmem:s12], [sflag:$0x1] =	stream.indirect_vreg.gather [hbm4b:s5+s2], $0x80, v4, vm0, $0xb8;
	[tilespmem:$0x10100] =	vst v63  }
0xc3: {  	s13 =	simm.s32 $0x9800  }
0xc4: {  	[tilespmem:s13], [sflag:$0x1] =	stream.indirect_vreg.gather [hbm4b:s6+s2], $0x80, v4, vm0, $0xb8;
	[tilespmem:$0x10100] =	vst v63  }
0xc5: {  	s29 =	simm.s32 $0xA000  }
0xc6: {  	[tilespmem:s29], [sflag:$0x1] =	stream.indirect_vreg.gather [hbm4b:s3+s2], $0x80, v3, vm0, $0xb8;
	[tilespmem:$0x10100] =	vst v63  }
0xc7: {  	s25 =	simm.s32 $0xA800  }
0xc8: {  	[tilespmem:s25], [sflag:$0x1] =	stream.indirect_vreg.gather [hbm4b:s4+s2], $0x80, v3, vm0, $0xb8;
	[tilespmem:$0x10100] =	vst v63  }
0xc9: {  	s28 =	simm.s32 $0xB000  }
0xca: {  	[tilespmem:s28], [sflag:$0x1] =	stream.indirect_vreg.gather [hbm4b:s5+s2], $0x80, v3, vm0, $0xb8;
	[tilespmem:$0x10100] =	vst v63  }
0xcb: {  	s20 =	simm.s32 $0xB800  }
0xcc: {  	[tilespmem:s20], [sflag:$0x1] =	stream.indirect_vreg.gather [hbm4b:s6+s2], $0x80, v3, vm0, $0xb8;
	[tilespmem:$0x10100] =	vst v63  }
0xcd: {  	v3 =	vld [tilespmem:$0x10090];
	_ =	sdelay $0x4  }
0xce: {  	v55 =	vshll.u32 v3, $0x3  }
0xcf: {  	v3 =	vand.u32 $0x7, v3;
	v4 =	vand.u32 $0xFFFFFFC0, v55  }
0xd0: {  	v3 =	vor.u32 v3, v4  }
0xd1: {  	v4 =	vperm.xlane v3, v0;
	_ =	sdelay $0x1  }
0xd2: {  	v4 =	vadd.s32 v1, v4;
	_ =	sdelay $0x3  }
0xd3: {  	s21 =	simm.s32 $0xC000  }
0xd4: {  	[tilespmem:s21], [sflag:$0x1] =	stream.indirect_vreg.gather [hbm4b:s3+s2], $0x80, v4, vm0, $0xb8;
	[tilespmem:$0x10100] =	vst v63  }
0xd5: {  	s22 =	simm.s32 $0xC800;
	v3 =	vperm.xlane v3, v2  }
0xd6: {  	[tilespmem:s22], [sflag:$0x1] =	stream.indirect_vreg.gather [hbm4b:s4+s2], $0x80, v4, vm0, $0xb8;
	[tilespmem:$0x10100] =	vst v63  }
0xd7: {  	s30 =	simm.s32 $0xD000;
	v3 =	vadd.s32 v1, v3  }
0xd8: {  	[tilespmem:s30], [sflag:$0x1] =	stream.indirect_vreg.gather [hbm4b:s5+s2], $0x80, v4, vm0, $0xb8;
	[tilespmem:$0x10100] =	vst v63  }
0xd9: {  	s31 =	simm.s32 $0xD800  }
0xda: {  	[tilespmem:s31], [sflag:$0x1] =	stream.indirect_vreg.gather [hbm4b:s6+s2], $0x80, v4, vm0, $0xb8;
	[tilespmem:$0x10100] =	vst v63  }
0xdb: {  	s21 =	simm.s32 $0xE000  }
0xdc: {  	[tilespmem:s21], [sflag:$0x1] =	stream.indirect_vreg.gather [hbm4b:s3+s2], $0x80, v3, vm0, $0xb8;
	[tilespmem:$0x10100] =	vst v63  }
0xdd: {  	s22 =	simm.s32 $0xE800  }
0xde: {  	[tilespmem:s22], [sflag:$0x1] =	stream.indirect_vreg.gather [hbm4b:s4+s2], $0x80, v3, vm0, $0xb8;
	[tilespmem:$0x10100] =	vst v63  }
0xdf: {  	s21 =	simm.s32 $0xF000  }
0xe0: {  	[tilespmem:s21], [sflag:$0x1] =	stream.indirect_vreg.gather [hbm4b:s5+s2], $0x80, v3, vm0, $0xb8;
	[tilespmem:$0x10100] =	vst v63  }
0xe1: {  	s24 =	simm.s32 $0xF800  }
0xe2: {  	[tilespmem:s24], [sflag:$0x1] =	stream.indirect_vreg.gather [hbm4b:s6+s2], $0x80, v3, vm0, $0xb8;
	[tilespmem:$0x10100] =	vst v63  }
0xe3: {  	_ =	swait.ge [sflag:s18], $0x8000  }
0xe4: {  	[sflag:s18] =	ssyncset.done $0x0  }
0xe5: {  	[sflag:s18] =	ssyncadd.s32 $0xFFFF8000  }
0xe6: {  	_ =	swait.ge [sflag:s18], $0x8000  }
0xe7: {  	[sflag:s18] =	ssyncset.done $0x0  }
0xe8: {  	s22 =	rddreg [dreg:$0x9];
	[sflag:s18] =	ssyncadd.s32 $0xFFFF8000  }
0xe9: {  	[hbm4b:s22+s2] =	stream.linear.scatter [tilespmem:s2], [sflag:$0x2], $0x8000, $0x38;
	[tilespmem:$0x10100] =	vst v63  }
0xea: {  	_ =	swait.ge [sflag:s9], $0x8000  }
0xeb: {  	[sflag:s9] =	ssyncset.done $0x0  }
0xec: {  	s24 =	rddreg [dreg:$0xa];
	[sflag:s9] =	ssyncadd.s32 $0xFFFF8000  }
0xed: {  	[hbm4b:s24+s2] =	stream.linear.scatter [tilespmem:s23], [sflag:$0x2], $0x8000, $0x38;
	[tilespmem:$0x10100] =	vst v63  }
0xee: {  	_ =	swait.ge [sflag:s9], $0x8000  }
0xef: {  	[sflag:s9] =	ssyncset.done $0x0  }
0xf0: {  	s24 =	simm.s32 $0x10000;
	s22 =	rddreg [dreg:$0xb];
	[sflag:s9] =	ssyncadd.s32 $0xFFFF8000  }
0xf1: {  	[tilespmem:s24], [sflag:$0x2] =	stream.linear.gather [hbm4b:s22+s2], $0x20, $0x38;
	[tilespmem:$0x10100] =	vst v63  }
0xf2: {  	_ =	swait.ge [sflag:s9], $0x20  }
0xf3: {  	[sflag:s9] =	ssyncset.done $0x0  }
0xf4: {  	s24 =	simm.s32 $0x10080;
	s22 =	rddreg [dreg:$0xc];
	[sflag:s9] =	ssyncadd.s32 $0xFFFFFFE0  }
0xf5: {  	[tilespmem:s24], [sflag:$0x2] =	stream.linear.gather [hbm4b:s22+s2], $0x20, $0x38;
	[tilespmem:$0x10100] =	vst v63  }
0xf6: {  	_ =	swait.ge [sflag:s9], $0x20  }
0xf7: {  	[sflag:s9] =	ssyncset.done $0x0  }
0xf8: {  	[sflag:s9] =	ssyncadd.s32 $0xFFFFFFE0  }
0xf9: {  	v3 =	vld [tilespmem:$0x10000];
	_ =	sdelay $0x4  }
0xfa: {  	v56 =	vshll.u32 v3, $0x3  }
0xfb: {  	v3 =	vand.u32 $0x7, v3;
	v4 =	vand.u32 $0xFFFFFFC0, v56  }
0xfc: {  	v3 =	vor.u32 v3, v4  }
0xfd: {  	v4 =	vperm.xlane v3, v0;
	_ =	sdelay $0x1  }
0xfe: {  	v4 =	vadd.s32 v1, v4;
	_ =	sdelay $0x4  }
0xff: {  	[tilespmem:s2], [sflag:$0x1] =	stream.indirect_vreg.gather [hbm4b:s3+s2], $0x80, v4, vm0, $0xb8;
	[tilespmem:$0x10100] =	vst v63  }
0x100: {  	v3 =	vperm.xlane v3, v2  }
0x101: {  	[tilespmem:s16], [sflag:$0x1] =	stream.indirect_vreg.gather [hbm4b:s4+s2], $0x80, v4, vm0, $0xb8;
	[tilespmem:$0x10100] =	vst v63  }
0x102: {  	s22 =	simm.s32 $0x1000;
	v3 =	vadd.s32 v1, v3  }
0x103: {  	[tilespmem:s22], [sflag:$0x1] =	stream.indirect_vreg.gather [hbm4b:s5+s2], $0x80, v4, vm0, $0xb8;
	[tilespmem:$0x10100] =	vst v63  }
0x104: {  	s24 =	simm.s32 $0x1800  }
0x105: {  	[tilespmem:s24], [sflag:$0x1] =	stream.indirect_vreg.gather [hbm4b:s6+s2], $0x80, v4, vm0, $0xb8;
	[tilespmem:$0x10100] =	vst v63  }
0x106: {  	s22 =	simm.s32 $0x2000  }
0x107: {  	[tilespmem:s22], [sflag:$0x1] =	stream.indirect_vreg.gather [hbm4b:s3+s2], $0x80, v3, vm0, $0xb8;
	[tilespmem:$0x10100] =	vst v63  }
0x108: {  	s24 =	simm.s32 $0x2800  }
0x109: {  	[tilespmem:s24], [sflag:$0x1] =	stream.indirect_vreg.gather [hbm4b:s4+s2], $0x80, v3, vm0, $0xb8;
	[tilespmem:$0x10100] =	vst v63  }
0x10a: {  	s22 =	simm.s32 $0x3000  }
0x10b: {  	[tilespmem:s22], [sflag:$0x1] =	stream.indirect_vreg.gather [hbm4b:s5+s2], $0x80, v3, vm0, $0xb8;
	[tilespmem:$0x10100] =	vst v63  }
0x10c: {  	_ = 	snop  }
0x10d: {  	[tilespmem:s26], [sflag:$0x1] =	stream.indirect_vreg.gather [hbm4b:s6+s2], $0x80, v3, vm0, $0xb8;
	[tilespmem:$0x10100] =	vst v63  }
0x10e: {  	v3 =	vld [tilespmem:$0x10010];
	_ =	sdelay $0x4  }
0x10f: {  	v57 =	vshll.u32 v3, $0x3  }
0x110: {  	v3 =	vand.u32 $0x7, v3;
	v4 =	vand.u32 $0xFFFFFFC0, v57  }
0x111: {  	v3 =	vor.u32 v3, v4  }
0x112: {  	v4 =	vperm.xlane v3, v0;
	_ =	sdelay $0x1  }
0x113: {  	v4 =	vadd.s32 v1, v4;
	_ =	sdelay $0x4  }
0x114: {  	[tilespmem:s17], [sflag:$0x1] =	stream.indirect_vreg.gather [hbm4b:s3+s2], $0x80, v4, vm0, $0xb8;
	[tilespmem:$0x10100] =	vst v63  }
0x115: {  	s24 =	simm.s32 $0x4800;
	v3 =	vperm.xlane v3, v2  }
0x116: {  	[tilespmem:s24], [sflag:$0x1] =	stream.indirect_vreg.gather [hbm4b:s4+s2], $0x80, v4, vm0, $0xb8;
	[tilespmem:$0x10100] =	vst v63  }
0x117: {  	v3 =	vadd.s32 v1, v3  }
0x118: {  	[tilespmem:s0], [sflag:$0x1] =	stream.indirect_vreg.gather [hbm4b:s5+s2], $0x80, v4, vm0, $0xb8;
	[tilespmem:$0x10100] =	vst v63  }
0x119: {  	_ = 	snop  }
0x11a: {  	[tilespmem:s1], [sflag:$0x1] =	stream.indirect_vreg.gather [hbm4b:s6+s2], $0x80, v4, vm0, $0xb8;
	[tilespmem:$0x10100] =	vst v63  }
0x11b: {  	_ = 	snop  }
0x11c: {  	[tilespmem:s8], [sflag:$0x1] =	stream.indirect_vreg.gather [hbm4b:s3+s2], $0x80, v3, vm0, $0xb8;
	[tilespmem:$0x10100] =	vst v63  }
0x11d: {  	_ = 	snop  }
0x11e: {  	[tilespmem:s10], [sflag:$0x1] =	stream.indirect_vreg.gather [hbm4b:s4+s2], $0x80, v3, vm0, $0xb8;
	[tilespmem:$0x10100] =	vst v63  }
0x11f: {  	_ = 	snop  }
0x120: {  	[tilespmem:s11], [sflag:$0x1] =	stream.indirect_vreg.gather [hbm4b:s5+s2], $0x80, v3, vm0, $0xb8;
	[tilespmem:$0x10100] =	vst v63  }
0x121: {  	_ = 	snop  }
0x122: {  	[tilespmem:s14], [sflag:$0x1] =	stream.indirect_vreg.gather [hbm4b:s6+s2], $0x80, v3, vm0, $0xb8;
	[tilespmem:$0x10100] =	vst v63  }
0x123: {  	v3 =	vld [tilespmem:$0x10080];
	_ =	sdelay $0x4  }
0x124: {  	v58 =	vshll.u32 v3, $0x3  }
0x125: {  	v3 =	vand.u32 $0x7, v3;
	v4 =	vand.u32 $0xFFFFFFC0, v58  }
0x126: {  	v3 =	vor.u32 v3, v4  }
0x127: {  	v4 =	vperm.xlane v3, v0;
	_ =	sdelay $0x1  }
0x128: {  	v4 =	vadd.s32 v1, v4;
	_ =	sdelay $0x4  }
0x129: {  	[tilespmem:s23], [sflag:$0x1] =	stream.indirect_vreg.gather [hbm4b:s3+s2], $0x80, v4, vm0, $0xb8;
	[tilespmem:$0x10100] =	vst v63  }
0x12a: {  	v3 =	vperm.xlane v3, v2  }
0x12b: {  	[tilespmem:s15], [sflag:$0x1] =	stream.indirect_vreg.gather [hbm4b:s4+s2], $0x80, v4, vm0, $0xb8;
	[tilespmem:$0x10100] =	vst v63  }
0x12c: {  	v3 =	vadd.s32 v1, v3  }
0x12d: {  	[tilespmem:s12], [sflag:$0x1] =	stream.indirect_vreg.gather [hbm4b:s5+s2], $0x80, v4, vm0, $0xb8;
	[tilespmem:$0x10100] =	vst v63  }
0x12e: {  	_ = 	snop  }
0x12f: {  	[tilespmem:s13], [sflag:$0x1] =	stream.indirect_vreg.gather [hbm4b:s6+s2], $0x80, v4, vm0, $0xb8;
	[tilespmem:$0x10100] =	vst v63  }
0x130: {  	s29 =	simm.s32 $0xA000  }
0x131: {  	[tilespmem:s29], [sflag:$0x1] =	stream.indirect_vreg.gather [hbm4b:s3+s2], $0x80, v3, vm0, $0xb8;
	[tilespmem:$0x10100] =	vst v63  }
0x132: {  	s25 =	simm.s32 $0xA800  }
0x133: {  	[tilespmem:s25], [sflag:$0x1] =	stream.indirect_vreg.gather [hbm4b:s4+s2], $0x80, v3, vm0, $0xb8;
	[tilespmem:$0x10100] =	vst v63  }
0x134: {  	s28 =	simm.s32 $0xB000  }
0x135: {  	[tilespmem:s28], [sflag:$0x1] =	stream.indirect_vreg.gather [hbm4b:s5+s2], $0x80, v3, vm0, $0xb8;
	[tilespmem:$0x10100] =	vst v63  }
0x136: {  	s26 =	simm.s32 $0xB800  }
0x137: {  	[tilespmem:s26], [sflag:$0x1] =	stream.indirect_vreg.gather [hbm4b:s6+s2], $0x80, v3, vm0, $0xb8;
	[tilespmem:$0x10100] =	vst v63  }
0x138: {  	v3 =	vld [tilespmem:$0x10090];
	_ =	sdelay $0x4  }
0x139: {  	v59 =	vshll.u32 v3, $0x3  }
0x13a: {  	v3 =	vand.u32 $0x7, v3;
	v4 =	vand.u32 $0xFFFFFFC0, v59  }
0x13b: {  	v3 =	vor.u32 v3, v4  }
0x13c: {  	v4 =	vperm.xlane v3, v0;
	_ =	sdelay $0x1  }
0x13d: {  	v4 =	vadd.s32 v1, v4;
	_ =	sdelay $0x3  }
0x13e: {  	s28 =	simm.s32 $0xC000  }
0x13f: {  	[tilespmem:s28], [sflag:$0x1] =	stream.indirect_vreg.gather [hbm4b:s3+s2], $0x80, v4, vm0, $0xb8;
	[tilespmem:$0x10100] =	vst v63  }
0x140: {  	s0 =	simm.s32 $0xC800;
	v3 =	vperm.xlane v3, v2  }
0x141: {  	[tilespmem:s0], [sflag:$0x1] =	stream.indirect_vreg.gather [hbm4b:s4+s2], $0x80, v4, vm0, $0xb8;
	[tilespmem:$0x10100] =	vst v63  }
0x142: {  	s20 =	simm.s32 $0xD000;
	v3 =	vadd.s32 v1, v3  }
0x143: {  	[tilespmem:s20], [sflag:$0x1] =	stream.indirect_vreg.gather [hbm4b:s5+s2], $0x80, v4, vm0, $0xb8;
	[tilespmem:$0x10100] =	vst v63  }
0x144: {  	s30 =	simm.s32 $0xD800  }
0x145: {  	[tilespmem:s30], [sflag:$0x1] =	stream.indirect_vreg.gather [hbm4b:s6+s2], $0x80, v4, vm0, $0xb8;
	[tilespmem:$0x10100] =	vst v63  }
0x146: {  	s31 =	simm.s32 $0xE000  }
0x147: {  	[tilespmem:s31], [sflag:$0x1] =	stream.indirect_vreg.gather [hbm4b:s3+s2], $0x80, v3, vm0, $0xb8;
	[tilespmem:$0x10100] =	vst v63  }
0x148: {  	s20 =	simm.s32 $0xE800  }
0x149: {  	[tilespmem:s20], [sflag:$0x1] =	stream.indirect_vreg.gather [hbm4b:s4+s2], $0x80, v3, vm0, $0xb8;
	[tilespmem:$0x10100] =	vst v63  }
0x14a: {  	s21 =	simm.s32 $0xF000  }
0x14b: {  	[tilespmem:s21], [sflag:$0x1] =	stream.indirect_vreg.gather [hbm4b:s5+s2], $0x80, v3, vm0, $0xb8;
	[tilespmem:$0x10100] =	vst v63  }
0x14c: {  	s21 =	simm.s32 $0xF800  }
0x14d: {  	[tilespmem:s21], [sflag:$0x1] =	stream.indirect_vreg.gather [hbm4b:s6+s2], $0x80, v3, vm0, $0xb8;
	[tilespmem:$0x10100] =	vst v63  }
0x14e: {  	_ =	swait.ge [sflag:s18], $0x8000  }
0x14f: {  	[sflag:s18] =	ssyncset.done $0x0  }
0x150: {  	[sflag:s18] =	ssyncadd.s32 $0xFFFF8000  }
0x151: {  	_ =	swait.ge [sflag:s18], $0x8000  }
0x152: {  	[sflag:s18] =	ssyncset.done $0x0  }
0x153: {  	s0 =	rddreg [dreg:$0xd];
	[sflag:s18] =	ssyncadd.s32 $0xFFFF8000  }
0x154: {  	[hbm4b:s0+s2] =	stream.linear.scatter [tilespmem:s2], [sflag:$0x2], $0x8000, $0x38;
	[tilespmem:$0x10100] =	vst v63  }
0x155: {  	_ =	swait.ge [sflag:s9], $0x8000  }
0x156: {  	[sflag:s9] =	ssyncset.done $0x0  }
0x157: {  	s0 =	rddreg [dreg:$0xe];
	[sflag:s9] =	ssyncadd.s32 $0xFFFF8000  }
0x158: {  	[hbm4b:s0+s2] =	stream.linear.scatter [tilespmem:s23], [sflag:$0x2], $0x8000, $0x38;
	[tilespmem:$0x10100] =	vst v63  }
0x159: {  	_ =	swait.ge [sflag:s9], $0x8000  }
0x15a: {  	[sflag:s9] =	ssyncset.done $0x0  }
0x15b: {  	s0 =	simm.s32 $0x10000;
	s19 =	rddreg [dreg:$0xf];
	[sflag:s9] =	ssyncadd.s32 $0xFFFF8000  }
0x15c: {  	[tilespmem:s0], [sflag:$0x2] =	stream.linear.gather [hbm4b:s19+s2], $0x20, $0x38;
	[tilespmem:$0x10100] =	vst v63  }
0x15d: {  	_ =	swait.ge [sflag:s9], $0x20  }
0x15e: {  	[sflag:s9] =	ssyncset.done $0x0  }
0x15f: {  	s0 =	simm.s32 $0x10080;
	s19 =	rddreg [dreg:$0x10];
	[sflag:s9] =	ssyncadd.s32 $0xFFFFFFE0  }
0x160: {  	[tilespmem:s0], [sflag:$0x2] =	stream.linear.gather [hbm4b:s19+s2], $0x20, $0x38;
	[tilespmem:$0x10100] =	vst v63  }
0x161: {  	_ =	swait.ge [sflag:s9], $0x20  }
0x162: {  	[sflag:s9] =	ssyncset.done $0x0  }
0x163: {  	[sflag:s9] =	ssyncadd.s32 $0xFFFFFFE0  }
0x164: {  	v3 =	vld [tilespmem:$0x10000];
	_ =	sdelay $0x4  }
0x165: {  	v60 =	vshll.u32 v3, $0x3  }
0x166: {  	v3 =	vand.u32 $0x7, v3;
	v4 =	vand.u32 $0xFFFFFFC0, v60  }
0x167: {  	v3 =	vor.u32 v3, v4  }
0x168: {  	v4 =	vperm.xlane v3, v0;
	_ =	sdelay $0x1  }
0x169: {  	v4 =	vadd.s32 v1, v4;
	_ =	sdelay $0x4  }
0x16a: {  	[tilespmem:s2], [sflag:$0x1] =	stream.indirect_vreg.gather [hbm4b:s3+s2], $0x80, v4, vm0, $0xb8;
	[tilespmem:$0x10100] =	vst v63  }
0x16b: {  	s16 =	simm.s32 $0x800;
	v3 =	vperm.xlane v3, v2  }
0x16c: {  	[tilespmem:s16], [sflag:$0x1] =	stream.indirect_vreg.gather [hbm4b:s4+s2], $0x80, v4, vm0, $0xb8;
	[tilespmem:$0x10100] =	vst v63  }
0x16d: {  	s0 =	simm.s32 $0x1000;
	v3 =	vadd.s32 v1, v3  }
0x16e: {  	[tilespmem:s0], [sflag:$0x1] =	stream.indirect_vreg.gather [hbm4b:s5+s2], $0x80, v4, vm0, $0xb8;
	[tilespmem:$0x10100] =	vst v63  }
0x16f: {  	s19 =	simm.s32 $0x1800  }
0x170: {  	[tilespmem:s19], [sflag:$0x1] =	stream.indirect_vreg.gather [hbm4b:s6+s2], $0x80, v4, vm0, $0xb8;
	[tilespmem:$0x10100] =	vst v63  }
0x171: {  	s0 =	simm.s32 $0x2000  }
0x172: {  	[tilespmem:s0], [sflag:$0x1] =	stream.indirect_vreg.gather [hbm4b:s3+s2], $0x80, v3, vm0, $0xb8;
	[tilespmem:$0x10100] =	vst v63  }
0x173: {  	s19 =	simm.s32 $0x2800  }
0x174: {  	[tilespmem:s19], [sflag:$0x1] =	stream.indirect_vreg.gather [hbm4b:s4+s2], $0x80, v3, vm0, $0xb8;
	[tilespmem:$0x10100] =	vst v63  }
0x175: {  	s0 =	simm.s32 $0x3000  }
0x176: {  	[tilespmem:s0], [sflag:$0x1] =	stream.indirect_vreg.gather [hbm4b:s5+s2], $0x80, v3, vm0, $0xb8;
	[tilespmem:$0x10100] =	vst v63  }
0x177: {  	s22 =	simm.s32 $0x3800  }
0x178: {  	[tilespmem:s22], [sflag:$0x1] =	stream.indirect_vreg.gather [hbm4b:s6+s2], $0x80, v3, vm0, $0xb8;
	[tilespmem:$0x10100] =	vst v63  }
0x179: {  	v3 =	vld [tilespmem:$0x10010];
	_ =	sdelay $0x4  }
0x17a: {  	v61 =	vshll.u32 v3, $0x3  }
0x17b: {  	v3 =	vand.u32 $0x7, v3;
	v4 =	vand.u32 $0xFFFFFFC0, v61  }
0x17c: {  	v3 =	vor.u32 v3, v4  }
0x17d: {  	v4 =	vperm.xlane v3, v0;
	_ =	sdelay $0x1  }
0x17e: {  	v4 =	vadd.s32 v1, v4;
	_ =	sdelay $0x3  }
0x17f: {  	s17 =	simm.s32 $0x4000  }
0x180: {  	[tilespmem:s17], [sflag:$0x1] =	stream.indirect_vreg.gather [hbm4b:s3+s2], $0x80, v4, vm0, $0xb8;
	[tilespmem:$0x10100] =	vst v63  }
0x181: {  	s19 =	simm.s32 $0x4800;
	v3 =	vperm.xlane v3, v2  }
0x182: {  	[tilespmem:s19], [sflag:$0x1] =	stream.indirect_vreg.gather [hbm4b:s4+s2], $0x80, v4, vm0, $0xb8;
	[tilespmem:$0x10100] =	vst v63  }
0x183: {  	s22 =	simm.s32 $0x5000;
	v3 =	vadd.s32 v1, v3  }
0x184: {  	[tilespmem:s22], [sflag:$0x1] =	stream.indirect_vreg.gather [hbm4b:s5+s2], $0x80, v4, vm0, $0xb8;
	[tilespmem:$0x10100] =	vst v63  }
0x185: {  	s1 =	simm.s32 $0x5800  }
0x186: {  	[tilespmem:s1], [sflag:$0x1] =	stream.indirect_vreg.gather [hbm4b:s6+s2], $0x80, v4, vm0, $0xb8;
	[tilespmem:$0x10100] =	vst v63  }
0x187: {  	s8 =	simm.s32 $0x6000  }
0x188: {  	[tilespmem:s8], [sflag:$0x1] =	stream.indirect_vreg.gather [hbm4b:s3+s2], $0x80, v3, vm0, $0xb8;
	[tilespmem:$0x10100] =	vst v63  }
0x189: {  	s10 =	simm.s32 $0x6800  }
0x18a: {  	[tilespmem:s10], [sflag:$0x1] =	stream.indirect_vreg.gather [hbm4b:s4+s2], $0x80, v3, vm0, $0xb8;
	[tilespmem:$0x10100] =	vst v63  }
0x18b: {  	s11 =	simm.s32 $0x7000  }
0x18c: {  	[tilespmem:s11], [sflag:$0x1] =	stream.indirect_vreg.gather [hbm4b:s5+s2], $0x80, v3, vm0, $0xb8;
	[tilespmem:$0x10100] =	vst v63  }
0x18d: {  	s14 =	simm.s32 $0x7800  }
0x18e: {  	[tilespmem:s14], [sflag:$0x1] =	stream.indirect_vreg.gather [hbm4b:s6+s2], $0x80, v3, vm0, $0xb8;
	[tilespmem:$0x10100] =	vst v63  }
0x18f: {  	v3 =	vld [tilespmem:$0x10080];
	_ =	sdelay $0x4  }
0x190: {  	v62 =	vshll.u32 v3, $0x3  }
0x191: {  	v3 =	vand.u32 $0x7, v3;
	v4 =	vand.u32 $0xFFFFFFC0, v62  }
0x192: {  	v3 =	vor.u32 v3, v4  }
0x193: {  	v4 =	vperm.xlane v3, v0;
	_ =	sdelay $0x1  }
0x194: {  	v4 =	vadd.s32 v1, v4;
	_ =	sdelay $0x4  }
0x195: {  	[tilespmem:s23], [sflag:$0x1] =	stream.indirect_vreg.gather [hbm4b:s3+s2], $0x80, v4, vm0, $0xb8;
	[tilespmem:$0x10100] =	vst v63  }
0x196: {  	s15 =	simm.s32 $0x8800;
	v3 =	vperm.xlane v3, v2  }
0x197: {  	[tilespmem:s15], [sflag:$0x1] =	stream.indirect_vreg.gather [hbm4b:s4+s2], $0x80, v4, vm0, $0xb8;
	[tilespmem:$0x10100] =	vst v63  }
0x198: {  	s12 =	simm.s32 $0x9000;
	v3 =	vadd.s32 v1, v3  }
0x199: {  	[tilespmem:s12], [sflag:$0x1] =	stream.indirect_vreg.gather [hbm4b:s5+s2], $0x80, v4, vm0, $0xb8;
	[tilespmem:$0x10100] =	vst v63  }
0x19a: {  	s13 =	simm.s32 $0x9800  }
0x19b: {  	[tilespmem:s13], [sflag:$0x1] =	stream.indirect_vreg.gather [hbm4b:s6+s2], $0x80, v4, vm0, $0xb8;
	[tilespmem:$0x10100] =	vst v63  }
0x19c: {  	s29 =	simm.s32 $0xA000  }
0x19d: {  	[tilespmem:s29], [sflag:$0x1] =	stream.indirect_vreg.gather [hbm4b:s3+s2], $0x80, v3, vm0, $0xb8;
	[tilespmem:$0x10100] =	vst v63  }
0x19e: {  	s24 =	simm.s32 $0xA800  }
0x19f: {  	[tilespmem:s24], [sflag:$0x1] =	stream.indirect_vreg.gather [hbm4b:s4+s2], $0x80, v3, vm0, $0xb8;
	[tilespmem:$0x10100] =	vst v63  }
0x1a0: {  	s25 =	simm.s32 $0xB000  }
0x1a1: {  	[tilespmem:s25], [sflag:$0x1] =	stream.indirect_vreg.gather [hbm4b:s5+s2], $0x80, v3, vm0, $0xb8;
	[tilespmem:$0x10100] =	vst v63  }
0x1a2: {  	s24 =	simm.s32 $0xB800  }
0x1a3: {  	[tilespmem:s24], [sflag:$0x1] =	stream.indirect_vreg.gather [hbm4b:s6+s2], $0x80, v3, vm0, $0xb8;
	[tilespmem:$0x10100] =	vst v63  }
0x1a4: {  	v3 =	vld [tilespmem:$0x10090];
	_ =	sdelay $0x4  }
0x1a5: {  	v63 =	vshll.u32 v3, $0x3  }
0x1a6: {  	v3 =	vand.u32 $0x7, v3;
	v4 =	vand.u32 $0xFFFFFFC0, v63  }
0x1a7: {  	v3 =	vor.u32 v3, v4  }
0x1a8: {  	v4 =	vperm.xlane v3, v0;
	_ =	sdelay $0x1  }
0x1a9: {  	v4 =	vadd.s32 v1, v4;
	_ =	sdelay $0x3  }
0x1aa: {  	s25 =	simm.s32 $0xC000  }
0x1ab: {  	[tilespmem:s25], [sflag:$0x1] =	stream.indirect_vreg.gather [hbm4b:s3+s2], $0x80, v4, vm0, $0xb8;
	[tilespmem:$0x10100] =	vst v63  }
0x1ac: {  	s29 =	simm.s32 $0xC800;
	v3 =	vperm.xlane v3, v2  }
0x1ad: {  	[tilespmem:s29], [sflag:$0x1] =	stream.indirect_vreg.gather [hbm4b:s4+s2], $0x80, v4, vm0, $0xb8;
	[tilespmem:$0x10100] =	vst v63  }
0x1ae: {  	s26 =	simm.s32 $0xD000;
	v3 =	vadd.s32 v1, v3  }
0x1af: {  	[tilespmem:s26], [sflag:$0x1] =	stream.indirect_vreg.gather [hbm4b:s5+s2], $0x80, v4, vm0, $0xb8;
	[tilespmem:$0x10100] =	vst v63  }
0x1b0: {  	s28 =	simm.s32 $0xD800  }
0x1b1: {  	[tilespmem:s28], [sflag:$0x1] =	stream.indirect_vreg.gather [hbm4b:s6+s2], $0x80, v4, vm0, $0xb8;
	[tilespmem:$0x10100] =	vst v63  }
0x1b2: {  	s30 =	simm.s32 $0xE000  }
0x1b3: {  	[tilespmem:s30], [sflag:$0x1] =	stream.indirect_vreg.gather [hbm4b:s3+s2], $0x80, v3, vm0, $0xb8;
	[tilespmem:$0x10100] =	vst v63  }
0x1b4: {  	s31 =	simm.s32 $0xE800  }
0x1b5: {  	[tilespmem:s31], [sflag:$0x1] =	stream.indirect_vreg.gather [hbm4b:s4+s2], $0x80, v3, vm0, $0xb8;
	[tilespmem:$0x10100] =	vst v63  }
0x1b6: {  	s20 =	simm.s32 $0xF000  }
0x1b7: {  	[tilespmem:s20], [sflag:$0x1] =	stream.indirect_vreg.gather [hbm4b:s5+s2], $0x80, v3, vm0, $0xb8;
	[tilespmem:$0x10100] =	vst v63  }
0x1b8: {  	s21 =	simm.s32 $0xF800  }
0x1b9: {  	[tilespmem:s21], [sflag:$0x1] =	stream.indirect_vreg.gather [hbm4b:s6+s2], $0x80, v3, vm0, $0xb8;
	[tilespmem:$0x10100] =	vst v63  }
0x1ba: {  	_ =	swait.ge [sflag:s18], $0x8000  }
0x1bb: {  	[sflag:s18] =	ssyncset.done $0x0  }
0x1bc: {  	[sflag:s18] =	ssyncadd.s32 $0xFFFF8000  }
0x1bd: {  	_ =	swait.ge [sflag:s18], $0x8000  }
0x1be: {  	[sflag:s18] =	ssyncset.done $0x0  }
0x1bf: {  	s30 =	rddreg [dreg:$0x11];
	[sflag:s18] =	ssyncadd.s32 $0xFFFF8000  }
0x1c0: {  	[hbm4b:s30+s2] =	stream.linear.scatter [tilespmem:s2], [sflag:$0x2], $0x8000, $0x38;
	[tilespmem:$0x10100] =	vst v63  }
0x1c1: {  	_ =	swait.ge [sflag:s9], $0x8000  }
0x1c2: {  	p0 =	sne.s32 s7, $0x1;
	[sflag:s9] =	ssyncset.done $0x0  }
.Ltmp0:
0x1c3: {  	s31 =	rddreg [dreg:$0x12];
	[sflag:s9] =	ssyncadd.s32 $0xFFFF8000;
	(pc) =	sbr.rel @p0 .LBB2_1-.Ltmp0, $4  }
0x1c4: {  	[hbm4b:s31+s2] =	stream.linear.scatter [tilespmem:s23], [sflag:$0x2], $0x8000, $0x38;
	[tilespmem:$0x10100] =	vst v63  }
0x1c5: {  	_ =	swait.ge [sflag:s9], $0x8000  }
0x1c6: {  	[sflag:s9] =	ssyncset.done $0x0  }
0x1c7: {  	s7 =	sadd.s32 $0xFFFFFFFF, s7;
	[sflag:s9] =	ssyncadd.s32 $0xFFFF8000  }
0x1c8: {  	_ =	sfence.sel $0x180000  }
0x1c9: {  	[bflag:$0x0] =	sbarrier.arrive $0xFFFF  }
0x1ca: {  	_ =	strace $0x9000004A  }
0x1cb: {  	s0 =	stileid.u32;
	[bflag:$0x2] =	sbarrier.arrive $0xFFFF  }
0x1cc: {  	p0 =	sne.s32 s0, $0x0;
	s0 =	rddreg [dreg:$0x2]  }
0x1cd: {  	s0 =	sadd.s32 @!p0 $0x100000, s0  }
0x1ce: {  	[sflag:s0] =	ssyncadd.tile.s32 @!p0 $0x1;
	_ =	shalt  }
.Lfunc_end2:
_tile_overlayer_lowered:
.L_overlay_start_2:
0x1cf: {  	(tag) =	ssettag $0x2  }
0x1d0: {  	s0 =	rddreg [dreg:$0x0];
	s2 =	stileid.u32  }
0x1d1: {  	s1 =	rddreg [dreg:$0x1];
	p0 =	sne.s32 s2, $0x0  }
0x1d2: {  	s3 =	rddreg [dreg:$0x2];
	[bflag:$0x3] =	sbarrier.arrive $0xFFFF;
	s2 =	simm.s32 @!p0 $0x1C02  }
0x1d3: {  	[timem:s3], [sflag:s2] =	dma.local @!p0 [hbm:s0], s1  }
0x1d4: {  	s0 =	simm.s32 @!p0 $0x2  }
0x1d5: {  	_ =	swait.ge @!p0 [sflag:s0], s1  }
0x1d6: {  	s1 =	ssub.s32 @!p0 $0x0, s1;
	[sflag:s0] =	ssyncset.done @!p0 $0x0  }
0x1d7: {  	[sflag:s0] =	ssyncadd.s32 @!p0 s1  }
0x1d8: {  	[bflag:$0x3] =	sbarrier.arrive $0xFFFF  }
0x1d9: {  	_ =	shalt  }

// kernel: kernel.7.cloned.1.call-start
scs
__scs_entry_jumppad:
0x0: {  	(pc) =	sbr.rel $0x88, $3  }
0x1: {  	(tag) =	ssettag $0x0;
	lr =	simm.s32 $0x1  }
0x2: {  	[smem:$0x3F9D] =	sst lr;
	_ =	strace $0xD0000000  }
0x3: {  	_ = 	snop  }
0x4: {  	_ = 	snop  }
0x5: {  	_ = 	snop  }
0x6: {  	_ = 	snop  }
0x7: {  	_ = 	snop  }
__scs_overlays_trampoline_lowered:
0x8: {  	[smem:$0x3FAC] =	sst s0  }
0x9: {  	[smem:$0x3FAD] =	sst s1  }
0xa: {  	[smem:$0x3FAE] =	sst s2  }
0xb: {  	[smem:$0x3FAF] =	sst s3  }
0xc: {  	[smem:$0x3FB0] =	sst s4  }
0xd: {  	[smem:$0x3FB1] =	sst s5  }
0xe: {  	[smem:$0x3FB2] =	sst s6  }
0xf: {  	[smem:$0x3FB3] =	sst s7  }
0x10: {  	[smem:$0x3FB4] =	sst s8  }
0x11: {  	[smem:$0x3FB5] =	sst s9;
	s0 =	simm.s32 @!p0 $0x0  }
0x12: {  	s1 =	sld [smem:$0x3F9B];
	s0 =	simm.s32 @p0 $0x1  }
0x13: {  	[smem:$0x3FB6] =	sst s0;
	s0 =	simm.s32 @!p1 $0x0  }
0x14: {  	s2 =	sld [smem:$0x3F9A];
	s0 =	simm.s32 @p1 $0x1  }
0x15: {  	[smem:$0x3FB7] =	sst s0;
	s0 =	simm.s32 @!p2 $0x0  }
0x16: {  	s3 =	sld [smem:$0x3FDB];
	s0 =	simm.s32 @p2 $0x1  }
0x17: {  	s4 =	simm.s32 $0x1BF5;
	[smem:$0x3FB9] =	sst s0  }
0x18: {  	s0 =	sld [smem:$0x3F9C];
	_ =	swait.ge [sflag:s4], $0x0  }
0x19: {  	s7 =	sld [smem:$0x3F9D]  }
0x1a: {  	s8 =	sadd.s32 $0xFFFFE003, lr  }
0x1b: {  	s9 =	sadd.s32 $0xFFFFFEF7, lr;
	s5 =	simm.s32 $0xFFFFFFFF;
	p2 =	slt.u32 s8, $0xFFFFF086  }
0x1c: {  	p1 =	slt.u32 s9, $0xF7A;
	s5 =	simm.s32 @!p2 $0x0  }
0x1d: {  	s5 =	simm.s32 @p1 $0x1;
	p0 =	seq.s32 s7, s2  }
0x1e: {  	s7 =	smul.u32 @!p0 $0xF7A, s2;
	p2 =	seq.s32 @!p0 s5, $0x0  }
0x1f: {  	s9 =	smul.u32 $0xF7A, s1;
	s8 =	simm.s32 @!p0 $0x1BF5;
	p2 =	por !p2, p0  }
0x20: {  	[sflag:s8] =	ssyncset.s32 @!p0 $0xFFFFF086;
	s6 =	sadd.s32 @!p0 s3, s7;
	s7 =	simm.s32 @!p0 $0x108  }
0x21: {  	s3 =	sadd.s32 s3, s9;
	s6 =	sadd.s32 @!p0 $0x88, s6;
	s7 =	simm.s32 @p2 $0x1082  }
0x22: {  	[simem:s7], [sflag:s8] =	dma.local @!p0 [hbm:s6], $0xF7A  }
0x23: {  	s9 =	sor.u32 $0xD0000000, s2;
	s6 =	simm.s32 $0x108;
	_ =	swait.ge @!p0 [sflag:s8], $0x0  }
0x24: {  	s3 =	sadd.s32 $0x88, s3;
	s6 =	simm.s32 @!p1 $0x1082;
	[sflag:s4] =	ssyncset.s32 $0xFFFFF086  }
0x25: {  	[simem:s6], [sflag:s4] =	dma.local [hbm:s3], $0xF7A  }
0x26: {  	[smem:$0x3F9D] =	sst s1;
	(tag) =	ssettag s2;
	_ =	strace s9  }
0x27: {  	s1 =	sld [smem:$0x3FAD]  }
0x28: {  	s2 =	sld [smem:$0x3FAE]  }
0x29: {  	s4 =	sld [smem:$0x3FB0]  }
0x2a: {  	p0 =	seq.s32 s5, $0x0;
	s5 =	sld [smem:$0x3FB1]  }
0x2b: {  	s6 =	sld [smem:$0x3FB2]  }
0x2c: {  	s7 =	sld [smem:$0x3FB3]  }
0x2d: {  	s3 =	simm.s32 $0x108;
	s8 =	sld [smem:$0x3FB4]  }
0x2e: {  	s3 =	simm.s32 @!p0 $0x1082;
	s9 =	sld [smem:$0x3FB5]  }
0x2f: {  	lr =	sadd.s32 s0, s3;
	s0 =	sld [smem:$0x3FAC]  }
0x30: {  	s3 =	sld [smem:$0x3FAF]  }
0x31: {  	[smem:$0x3FB8] =	sst s10  }
0x32: {  	s10 =	sld [smem:$0x3FB6];
	_ =	sdelay $0x3  }
0x33: {  	p0 =	seq.s32 s10, $0x1;
	s10 =	sld [smem:$0x3FB8];
	_ =	sdelay $0x3  }
0x34: {  	[smem:$0x3FB8] =	sst s10  }
0x35: {  	s10 =	sld [smem:$0x3FB7];
	_ =	sdelay $0x3  }
0x36: {  	p1 =	seq.s32 s10, $0x1;
	s10 =	sld [smem:$0x3FB8];
	_ =	sdelay $0x3  }
0x37: {  	[smem:$0x3FB8] =	sst s10  }
0x38: {  	s10 =	sld [smem:$0x3FB9]  }
0x39: {  	_ = 	snop;
	(pc) =	sbr.ind lr, $3  }
0x3a: {  	_ = 	snop  }
0x3b: {  	_ = 	snop  }
0x3c: {  	p2 =	seq.s32 s10, $0x1;
	s10 =	sld [smem:$0x3FB8]  }
0x3d: {  	_ =	shalt  }
0x3e: {  	_ =	shalt  }
0x3f: {  	_ =	shalt  }
0x40: {  	_ =	shalt  }
0x41: {  	_ =	shalt  }
0x42: {  	_ =	shalt  }
0x43: {  	_ =	shalt  }
0x44: {  	_ =	shalt  }
0x45: {  	_ =	shalt  }
0x46: {  	_ =	shalt  }
0x47: {  	_ =	shalt  }
0x48: {  	_ =	shalt  }
0x49: {  	_ =	shalt  }
0x4a: {  	_ =	shalt  }
0x4b: {  	_ =	shalt  }
0x4c: {  	_ =	shalt  }
0x4d: {  	_ =	shalt  }
0x4e: {  	_ =	shalt  }
0x4f: {  	_ =	shalt  }
0x50: {  	_ =	shalt  }
0x51: {  	_ =	shalt  }
0x52: {  	_ =	shalt  }
0x53: {  	_ =	shalt  }
0x54: {  	_ =	shalt  }
0x55: {  	_ =	shalt  }
0x56: {  	_ =	shalt  }
0x57: {  	_ =	shalt  }
0x58: {  	_ =	shalt  }
0x59: {  	_ =	shalt  }
0x5a: {  	_ =	shalt  }
0x5b: {  	_ =	shalt  }
0x5c: {  	_ =	shalt  }
0x5d: {  	_ =	shalt  }
0x5e: {  	_ =	shalt  }
0x5f: {  	_ =	shalt  }
0x60: {  	_ =	shalt  }
0x61: {  	_ =	shalt  }
0x62: {  	_ =	shalt  }
0x63: {  	_ =	shalt  }
0x64: {  	_ =	shalt  }
0x65: {  	_ =	shalt  }
0x66: {  	_ =	shalt  }
0x67: {  	_ =	shalt  }
0x68: {  	_ =	shalt  }
0x69: {  	_ =	shalt  }
0x6a: {  	_ =	shalt  }
0x6b: {  	_ =	shalt  }
0x6c: {  	_ =	shalt  }
0x6d: {  	_ =	shalt  }
0x6e: {  	_ =	shalt  }
0x6f: {  	_ =	shalt  }
0x70: {  	_ =	shalt  }
0x71: {  	_ =	shalt  }
0x72: {  	_ =	shalt  }
0x73: {  	_ =	shalt  }
0x74: {  	_ =	shalt  }
0x75: {  	_ =	shalt  }
0x76: {  	_ =	shalt  }
0x77: {  	_ =	shalt  }
0x78: {  	_ =	shalt  }
0x79: {  	_ =	shalt  }
0x7a: {  	_ =	shalt  }
0x7b: {  	_ =	shalt  }
0x7c: {  	_ =	shalt  }
0x7d: {  	_ =	shalt  }
0x7e: {  	_ =	shalt  }
0x7f: {  	_ =	shalt  }
0x80: {  	_ =	shalt  }
0x81: {  	_ =	shalt  }
0x82: {  	_ =	shalt  }
0x83: {  	_ =	shalt  }
0x84: {  	_ =	shalt  }
0x85: {  	_ =	shalt  }
0x86: {  	_ =	shalt  }
0x87: {  	_ =	shalt  }
.Lfunc_end0:
.L_simem_size_0:
called_computation_lowered:
.L_overlay_start_0:
0x88: {  	s2 =	sld [smem:$0x3FD9]  }
0x89: {  	s3 =	sld [smem:$0x3FFE];
	_ =	sdelay $0x1  }
0x8a: {  	s1 =	srdreg.scid  }
0x8b: {  	s0 =	sand.u32 $0x1, s1  }
0x8c: {  	s17 =	sshll.u32 s0, $0xA;
	s2 =	sadd.s32 s3, s2  }
0x8d: {  	s2 =	sadd.s32 s2, s17  }
0x8e: {  	[smem:$0x3FC4] =	sst s2  }
0x8f: {  	_ = 	snop  }
0x90: {  	s2 =	sld [smem:$0x3FC9];
	(tm) =	ssettm $0x1  }
0x91: {  	s18 =	sld [smem:$0x3FFB];
	_ =	sdelay $0x3  }
0x92: {  	_ =	strace s18  }
0x93: {  	s3 =	sld [smem:$0x3FFC];
	_ =	sdelay $0x3  }
0x94: {  	_ =	strace s3  }
0x95: {  	s3 =	sld [smem:$0x3FFD];
	_ =	sdelay $0x3  }
0x96: {  	_ =	strace s3  }
0x97: {  	_ =	strace $0x8FFFFFFF  }
0x98: {  	s19 =	sld [smem:$0x3FDB];
	_ =	sdelay $0x1  }
0x99: {  	s4 =	simm.s32 $_scs_section_size  }
0x9a: {  	s5 =	simm.s32 $_size__tile_overlayer_lowered;
	s6 =	simm.s32 $_tile_overlayer_lowered  }
0x9b: {  	s22 =	simm.s32 $0x1BFF;
	s21 =	sshll.u32 s6, $0x1;
	s3 =	sadd.s32 s4, s19  }
0x9c: {  	s7 =	simm.s32 $0x0;
	s20 =	sshll.u32 s5, $0x1;
	s5 =	sadd.s32 s21, s3  }
0x9d: {  	[timem:s7], [sflag:s22] =	dma.local [hbm:s5], s20  }
0x9e: {  	_ =	swait.ge [sflag:s22], s20  }
0x9f: {  	s4 =	ssub.s32 $0x0, s20;
	[sflag:s22] =	ssyncset.done $0x0  }
0xa0: {  	[sflag:s22] =	ssyncadd.s32 s4;
	_ =	sdelay $0x1  }
0xa1: {  	s23 =	simm.s32 $0x1B8B  }
0xa2: {  	_ =	swait.ge [sflag:s23], $0x1  }
0xa3: {  	[sflag:s23] =	ssyncset.done $0x0  }
0xa4: {  	s25 =	simm.s32 $0x1B8E;
	s24 =	sld [smem:$0x3FFE];
	[sflag:s23] =	ssyncadd.s32 $0xFFFFFFFF  }
0xa5: {  	s26 =	simm.s32 $execute0_lowered;
	[smem:$0x3FD2] =	sst s25  }
0xa6: {  	s5 =	sshll.u32 s26, $0x1;
	_ =	strace $0x80000046;
	[dreg:$0x1] =	wrdreg $0xFFFFFFFF  }
0xa7: {  	s28 =	simm.s32 $_size_execute0_lowered;
	s3 =	sadd.s32 s3, s5;
	[dreg:$0x0] =	wrdreg $0x0  }
0xa8: {  	s5 =	sshll.u32 s28, $0x1;
	[dreg:$0x2] =	wrdreg s3  }
0xa9: {  	[dreg:$0x3] =	wrdreg s5  }
0xaa: {  	[dreg:$0x4] =	wrdreg $0xC0  }
0xab: {  	_ =	task [dreg:s7], $0x5FFFF  }
0xac: {  	[dreg:$0x1] =	wrdreg $0xFFFFFFFF  }
0xad: {  	[dreg:$0x0] =	wrdreg $0x60  }
0xae: {  	[dreg:$0x2] =	wrdreg s2  }
0xaf: {  	[dreg:$0x3] =	wrdreg s24  }
0xb0: {  	[dreg:$0x4] =	wrdreg $0x9  }
0xb1: {  	_ =	task.clear_ibuf [dreg:s7], $0x5FFFF;
	_ =	strace $0x90000046  }
0xb2: {  	s29 =	simm.s32 $0x9;
	_ =	strace $0x80000048  }
0xb3: {  	_ =	swait.ge [sflag:s29], $0x1  }
0xb4: {  	[sflag:s29] =	ssyncadd.s32 $0xFFFFFFFF  }
0xb5: {  	_ =	strace $0x90000048  }
0xb6: {  	_ =	sfence  }
0xb7: {  	s30 =	sld [smem:$0x0];
	_ =	sdelay $0x2  }
0xb8: {  	s31 =	sshll.u32 s1, $0xD;
	s1 =	sshrl.u32 s1, $0x2  }
0xb9: {  	s3 =	sand.u32 $0x4000, s31;
	s1 =	sadd.s32 s1, s30  }
0xba: {  	s0 =	sor.u32 s3, s0;
	s1 =	sshll.u32 s1, $0x11  }
0xbb: {  	s0 =	sor.u32 s1, s0  }
0xbc: {  	s0 =	sadd.s32 $0x8F2B, s0  }
0xbd: {  	[sflag:s0] =	ssyncadd.remote.s32 $0x1  }
0xbe: {  	_ =	sfence.sel $0xFFFF  }
0xbf: {  	[dreg:$0x0] =	wrdreg $0xFFFFFFFF;
	(pc) =	sbr.abs _section_cstart, $3  }
0xc0: {  	[dreg:$0x1] =	wrdreg $0xFFFFFFFF  }
0xc1: {  	_ =	task.clear_ibuf [dreg:s7], $0x2FFFF;
	_ =	strace $0x9FFFFFFF  }
0xc2: {  	(tm) =	ssettm $0x7FFFFFFF  }
0xc3: {  	_ =	shalt  }
tec
execute0_lowered:
.L_overlay_start_1:
0x0: {  	(tag) =	ssettag $0x1  }
0x1: {  	s0 =	rddreg [dreg:$0x0]  }
0x2: {  	s1 =	rddreg [dreg:$0x1];
	s2 =	simm.s32 $0x0;
	s3 =	srdreg.scid  }
0x3: {  	s5 =	stileid.u32;
	s18 =	simm.s32 $0x1;
	[smem:$0x7FF] =	sst s2  }
0x4: {  	s4 =	sand.u32 $0x1, s3;
	s23 =	sshll.u32 s5, $0x8;
	s6 =	sadd.s32 $0x800, s1  }
0x5: {  	s7 =	sadd.s32 $0xA00, s1;
	s3 =	sadd.s32 $0x44A00, s1;
	s24 =	sshll.u32 s4, $0x7  }
0x6: {  	_ =	strace $0x80000047;
	s4 =	ssub.s32 $0x2, s4;
	s5 =	sor.u32 s24, s23  }
0x7: {  	s9 =	sshrl.u32 s4, $0x1;
	s8 =	sshll.u32 s5, $0x7;
	s10 =	sshrl.u32 s5, $0x3  }
0x8: {  	s5 =	sor.u32 $0x40, s5;
	s29 =	ssub.s32 s4, s9;
	s8 =	sadd.s32 s0, s8  }
0x9: {  	s4 =	sadd.s32 $0x44B00, s1;
	s25 =	sadd.s32 s6, s10;
	[dreg:$0x3] =	wrdreg s8  }
0xa: {  	s26 =	sadd.s32 s7, s10;
	s28 =	sshll.u32 s5, $0x7;
	[dreg:$0x4] =	wrdreg s25  }
0xb: {  	s5 =	sshrl.u32 s5, $0x3;
	[dreg:$0x5] =	wrdreg s26;
	s0 =	sadd.s32 s0, s28  }
0xc: {  	v2 =	vlaneseq.u32;
	s30 =	sadd.s32 s6, s5;
	s31 =	sadd.s32 s7, s5;
	[dreg:$0x6] =	wrdreg s0  }
0xd: {  	vm0 =	vmmov $0xffff;
	v1 =	vshrl.u32 v2, $0x3;
	s5 =	sadd.s32 $0x44C00, s1;
	s6 =	sadd.s32 $0x44D00, s1;
	[dreg:$0x7] =	wrdreg s30  }
0xe: {  	v0 =	vand.u32 $0x7, v2;
	v2 =	vor.u32 $0x8, v2;
	v1 =	vmul.u32 $0x8, v1;
	s7 =	smax.u32 s29, $0x1;
	s8 =	simm.s32 $0x2;
	[dreg:$0x8] =	wrdreg s31  }
.LBB2_1:
0xf: {  	s19 =	rddreg [dreg:$0x3]  }
0x10: {  	[tilespmem:s2], [sflag:$0x2] =	stream.linear.gather [hbm4b:s19+s2], $0x10000, $0x38;
	[tilespmem:$0x10100] =	vst v63  }
0x11: {  	_ =	swait.ge [sflag:s8], $0x10000  }
0x12: {  	[sflag:s8] =	ssyncset.done $0x0  }
0x13: {  	s0 =	simm.s32 $0x10000;
	s21 =	rddreg [dreg:$0x4];
	[sflag:s8] =	ssyncadd.s32 $0xFFFF0000  }
0x14: {  	[tilespmem:s0], [sflag:$0x2] =	stream.linear.gather [hbm4b:s21+s2], $0x40, $0x38;
	[tilespmem:$0x10100] =	vst v63  }
0x15: {  	_ =	swait.ge [sflag:s8], $0x40  }
0x16: {  	[sflag:s8] =	ssyncset.done $0x0  }
0x17: {  	s23 =	simm.s32 $0x10080;
	s22 =	rddreg [dreg:$0x5];
	[sflag:s8] =	ssyncadd.s32 $0xFFFFFFC0  }
0x18: {  	[tilespmem:s23], [sflag:$0x2] =	stream.linear.gather [hbm4b:s22+s2], $0x40, $0x38;
	[tilespmem:$0x10100] =	vst v63  }
0x19: {  	_ =	swait.ge [sflag:s8], $0x40  }
0x1a: {  	[sflag:s8] =	ssyncset.done $0x0  }
0x1b: {  	[sflag:s8] =	ssyncadd.s32 $0xFFFFFFC0  }
0x1c: {  	v3 =	vld [tilespmem:$0x10000];
	_ =	sdelay $0x4  }
0x1d: {  	v4 =	vshll.u32 v3, $0x3  }
0x1e: {  	v3 =	vand.u32 $0x7, v3;
	v4 =	vand.u32 $0xFFFFFFC0, v4  }
0x1f: {  	v3 =	vor.u32 v3, v4  }
0x20: {  	v4 =	vperm.xlane v3, v0;
	_ =	sdelay $0x1  }
0x21: {  	v4 =	vadd.s32 v1, v4;
	_ =	sdelay $0x4  }
0x22: {  	[hbm4b:s3+s2] =	stream.indirect_vreg.scatter [tilespmem:s2], [sflag:$0x1], $0x80, v4, vm0, $0xb8;
	[tilespmem:$0x10100] =	vst v63  }
0x23: {  	s24 =	simm.s32 $0x800;
	v3 =	vperm.xlane v3, v2  }
0x24: {  	[hbm4b:s4+s2] =	stream.indirect_vreg.scatter [tilespmem:s24], [sflag:$0x1], $0x80, v4, vm0, $0xb8;
	[tilespmem:$0x10100] =	vst v63  }
0x25: {  	s25 =	simm.s32 $0x1000;
	v3 =	vadd.s32 v1, v3  }
0x26: {  	[hbm4b:s5+s2] =	stream.indirect_vreg.scatter [tilespmem:s25], [sflag:$0x1], $0x80, v4, vm0, $0xb8;
	[tilespmem:$0x10100] =	vst v63  }
0x27: {  	s26 =	simm.s32 $0x1800  }
0x28: {  	[hbm4b:s6+s2] =	stream.indirect_vreg.scatter [tilespmem:s26], [sflag:$0x1], $0x80, v4, vm0, $0xb8;
	[tilespmem:$0x10100] =	vst v63  }
0x29: {  	s28 =	simm.s32 $0x2000  }
0x2a: {  	[hbm4b:s3+s2] =	stream.indirect_vreg.scatter [tilespmem:s28], [sflag:$0x1], $0x80, v3, vm0, $0xb8;
	[tilespmem:$0x10100] =	vst v63  }
0x2b: {  	s29 =	simm.s32 $0x2800  }
0x2c: {  	[hbm4b:s4+s2] =	stream.indirect_vreg.scatter [tilespmem:s29], [sflag:$0x1], $0x80, v3, vm0, $0xb8;
	[tilespmem:$0x10100] =	vst v63  }
0x2d: {  	s30 =	simm.s32 $0x3000  }
0x2e: {  	[hbm4b:s5+s2] =	stream.indirect_vreg.scatter [tilespmem:s30], [sflag:$0x1], $0x80, v3, vm0, $0xb8;
	[tilespmem:$0x10100] =	vst v63  }
0x2f: {  	s31 =	simm.s32 $0x3800  }
0x30: {  	[hbm4b:s6+s2] =	stream.indirect_vreg.scatter [tilespmem:s31], [sflag:$0x1], $0x80, v3, vm0, $0xb8;
	[tilespmem:$0x10100] =	vst v63  }
0x31: {  	v3 =	vld [tilespmem:$0x10010];
	_ =	sdelay $0x4  }
0x32: {  	v49 =	vshll.u32 v3, $0x3  }
0x33: {  	v3 =	vand.u32 $0x7, v3;
	v4 =	vand.u32 $0xFFFFFFC0, v49  }
0x34: {  	v3 =	vor.u32 v3, v4  }
0x35: {  	v4 =	vperm.xlane v3, v0;
	_ =	sdelay $0x1  }
0x36: {  	v4 =	vadd.s32 v1, v4;
	_ =	sdelay $0x3  }
0x37: {  	s1 =	simm.s32 $0x4000  }
0x38: {  	[hbm4b:s3+s2] =	stream.indirect_vreg.scatter [tilespmem:s1], [sflag:$0x1], $0x80, v4, vm0, $0xb8;
	[tilespmem:$0x10100] =	vst v63  }
0x39: {  	s9 =	simm.s32 $0x4800;
	v3 =	vperm.xlane v3, v2  }
0x3a: {  	[hbm4b:s4+s2] =	stream.indirect_vreg.scatter [tilespmem:s9], [sflag:$0x1], $0x80, v4, vm0, $0xb8;
	[tilespmem:$0x10100] =	vst v63  }
0x3b: {  	s10 =	simm.s32 $0x5000;
	v3 =	vadd.s32 v1, v3  }
0x3c: {  	[hbm4b:s5+s2] =	stream.indirect_vreg.scatter [tilespmem:s10], [sflag:$0x1], $0x80, v4, vm0, $0xb8;
	[tilespmem:$0x10100] =	vst v63  }
0x3d: {  	s11 =	simm.s32 $0x5800  }
0x3e: {  	[hbm4b:s6+s2] =	stream.indirect_vreg.scatter [tilespmem:s11], [sflag:$0x1], $0x80, v4, vm0, $0xb8;
	[tilespmem:$0x10100] =	vst v63  }
0x3f: {  	s12 =	simm.s32 $0x6000  }
0x40: {  	[hbm4b:s3+s2] =	stream.indirect_vreg.scatter [tilespmem:s12], [sflag:$0x1], $0x80, v3, vm0, $0xb8;
	[tilespmem:$0x10100] =	vst v63  }
0x41: {  	s13 =	simm.s32 $0x6800  }
0x42: {  	[hbm4b:s4+s2] =	stream.indirect_vreg.scatter [tilespmem:s13], [sflag:$0x1], $0x80, v3, vm0, $0xb8;
	[tilespmem:$0x10100] =	vst v63  }
0x43: {  	s19 =	simm.s32 $0x7000  }
0x44: {  	[hbm4b:s5+s2] =	stream.indirect_vreg.scatter [tilespmem:s19], [sflag:$0x1], $0x80, v3, vm0, $0xb8;
	[tilespmem:$0x10100] =	vst v63  }
0x45: {  	s20 =	simm.s32 $0x7800  }
0x46: {  	[hbm4b:s6+s2] =	stream.indirect_vreg.scatter [tilespmem:s20], [sflag:$0x1], $0x80, v3, vm0, $0xb8;
	[tilespmem:$0x10100] =	vst v63  }
0x47: {  	v3 =	vld [tilespmem:$0x10020];
	_ =	sdelay $0x4  }
0x48: {  	v50 =	vshll.u32 v3, $0x3  }
0x49: {  	v3 =	vand.u32 $0x7, v3;
	v4 =	vand.u32 $0xFFFFFFC0, v50  }
0x4a: {  	v3 =	vor.u32 v3, v4  }
0x4b: {  	v4 =	vperm.xlane v3, v0;
	_ =	sdelay $0x1  }
0x4c: {  	v4 =	vadd.s32 v1, v4;
	_ =	sdelay $0x3  }
0x4d: {  	s21 =	simm.s32 $0x8000  }
0x4e: {  	[hbm4b:s3+s2] =	stream.indirect_vreg.scatter [tilespmem:s21], [sflag:$0x1], $0x80, v4, vm0, $0xb8;
	[tilespmem:$0x10100] =	vst v63  }
0x4f: {  	s22 =	simm.s32 $0x8800;
	v3 =	vperm.xlane v3, v2  }
0x50: {  	[hbm4b:s4+s2] =	stream.indirect_vreg.scatter [tilespmem:s22], [sflag:$0x1], $0x80, v4, vm0, $0xb8;
	[tilespmem:$0x10100] =	vst v63  }
0x51: {  	s23 =	simm.s32 $0x9000;
	v3 =	vadd.s32 v1, v3  }
0x52: {  	[hbm4b:s5+s2] =	stream.indirect_vreg.scatter [tilespmem:s23], [sflag:$0x1], $0x80, v4, vm0, $0xb8;
	[tilespmem:$0x10100] =	vst v63  }
0x53: {  	s30 =	simm.s32 $0x9800  }
0x54: {  	[hbm4b:s6+s2] =	stream.indirect_vreg.scatter [tilespmem:s30], [sflag:$0x1], $0x80, v4, vm0, $0xb8;
	[tilespmem:$0x10100] =	vst v63  }
0x55: {  	s31 =	simm.s32 $0xA000  }
0x56: {  	[hbm4b:s3+s2] =	stream.indirect_vreg.scatter [tilespmem:s31], [sflag:$0x1], $0x80, v3, vm0, $0xb8;
	[tilespmem:$0x10100] =	vst v63  }
0x57: {  	s1 =	simm.s32 $0xA800  }
0x58: {  	[hbm4b:s4+s2] =	stream.indirect_vreg.scatter [tilespmem:s1], [sflag:$0x1], $0x80, v3, vm0, $0xb8;
	[tilespmem:$0x10100] =	vst v63  }
0x59: {  	s9 =	simm.s32 $0xB000  }
0x5a: {  	[hbm4b:s5+s2] =	stream.indirect_vreg.scatter [tilespmem:s9], [sflag:$0x1], $0x80, v3, vm0, $0xb8;
	[tilespmem:$0x10100] =	vst v63  }
0x5b: {  	s10 =	simm.s32 $0xB800  }
0x5c: {  	[hbm4b:s6+s2] =	stream.indirect_vreg.scatter [tilespmem:s10], [sflag:$0x1], $0x80, v3, vm0, $0xb8;
	[tilespmem:$0x10100] =	vst v63  }
0x5d: {  	v3 =	vld [tilespmem:$0x10030];
	_ =	sdelay $0x4  }
0x5e: {  	v51 =	vshll.u32 v3, $0x3  }
0x5f: {  	v3 =	vand.u32 $0x7, v3;
	v4 =	vand.u32 $0xFFFFFFC0, v51  }
0x60: {  	v3 =	vor.u32 v3, v4  }
0x61: {  	v4 =	vperm.xlane v3, v0;
	_ =	sdelay $0x1  }
0x62: {  	v4 =	vadd.s32 v1, v4;
	_ =	sdelay $0x3  }
0x63: {  	s30 =	simm.s32 $0xC000  }
0x64: {  	[hbm4b:s3+s2] =	stream.indirect_vreg.scatter [tilespmem:s30], [sflag:$0x1], $0x80, v4, vm0, $0xb8;
	[tilespmem:$0x10100] =	vst v63  }
0x65: {  	s31 =	simm.s32 $0xC800;
	v3 =	vperm.xlane v3, v2  }
0x66: {  	[hbm4b:s4+s2] =	stream.indirect_vreg.scatter [tilespmem:s31], [sflag:$0x1], $0x80, v4, vm0, $0xb8;
	[tilespmem:$0x10100] =	vst v63  }
0x67: {  	s0 =	simm.s32 $0xD000;
	v3 =	vadd.s32 v1, v3  }
0x68: {  	[hbm4b:s5+s2] =	stream.indirect_vreg.scatter [tilespmem:s0], [sflag:$0x1], $0x80, v4, vm0, $0xb8;
	[tilespmem:$0x10100] =	vst v63  }
0x69: {  	s30 =	simm.s32 $0xD800  }
0x6a: {  	[hbm4b:s6+s2] =	stream.indirect_vreg.scatter [tilespmem:s30], [sflag:$0x1], $0x80, v4, vm0, $0xb8;
	[tilespmem:$0x10100] =	vst v63  }
0x6b: {  	s31 =	simm.s32 $0xE000  }
0x6c: {  	[hbm4b:s3+s2] =	stream.indirect_vreg.scatter [tilespmem:s31], [sflag:$0x1], $0x80, v3, vm0, $0xb8;
	[tilespmem:$0x10100] =	vst v63  }
0x6d: {  	s0 =	simm.s32 $0xE800  }
0x6e: {  	[hbm4b:s4+s2] =	stream.indirect_vreg.scatter [tilespmem:s0], [sflag:$0x1], $0x80, v3, vm0, $0xb8;
	[tilespmem:$0x10100] =	vst v63  }
0x6f: {  	s0 =	simm.s32 $0xF000  }
0x70: {  	[hbm4b:s5+s2] =	stream.indirect_vreg.scatter [tilespmem:s0], [sflag:$0x1], $0x80, v3, vm0, $0xb8;
	[tilespmem:$0x10100] =	vst v63  }
0x71: {  	s0 =	simm.s32 $0xF800  }
0x72: {  	[hbm4b:s6+s2] =	stream.indirect_vreg.scatter [tilespmem:s0], [sflag:$0x1], $0x80, v3, vm0, $0xb8;
	[tilespmem:$0x10100] =	vst v63  }
0x73: {  	v3 =	vld [tilespmem:$0x10080];
	_ =	sdelay $0x4  }
0x74: {  	v52 =	vshll.u32 v3, $0x3  }
0x75: {  	v3 =	vand.u32 $0x7, v3;
	v4 =	vand.u32 $0xFFFFFFC0, v52  }
0x76: {  	v3 =	vor.u32 v3, v4  }
0x77: {  	v4 =	vperm.xlane v3, v0;
	_ =	sdelay $0x1  }
0x78: {  	v4 =	vadd.s32 v1, v4;
	_ =	sdelay $0x4  }
0x79: {  	[hbm4b:s3+s2] =	stream.indirect_vreg.scatter [tilespmem:s2], [sflag:$0x1], $0x80, v4, vm0, $0xb8;
	[tilespmem:$0x10100] =	vst v63  }
0x7a: {  	s14 =	simm.s32 $0x800;
	v3 =	vperm.xlane v3, v2  }
0x7b: {  	[hbm4b:s4+s2] =	stream.indirect_vreg.scatter [tilespmem:s14], [sflag:$0x1], $0x80, v4, vm0, $0xb8;
	[tilespmem:$0x10100] =	vst v63  }
0x7c: {  	s24 =	simm.s32 $0x1000;
	v3 =	vadd.s32 v1, v3  }
0x7d: {  	[hbm4b:s5+s2] =	stream.indirect_vreg.scatter [tilespmem:s24], [sflag:$0x1], $0x80, v4, vm0, $0xb8;
	[tilespmem:$0x10100] =	vst v63  }
0x7e: {  	s25 =	simm.s32 $0x1800  }
0x7f: {  	[hbm4b:s6+s2] =	stream.indirect_vreg.scatter [tilespmem:s25], [sflag:$0x1], $0x80, v4, vm0, $0xb8;
	[tilespmem:$0x10100] =	vst v63  }
0x80: {  	s26 =	simm.s32 $0x2000  }
0x81: {  	[hbm4b:s3+s2] =	stream.indirect_vreg.scatter [tilespmem:s26], [sflag:$0x1], $0x80, v3, vm0, $0xb8;
	[tilespmem:$0x10100] =	vst v63  }
0x82: {  	s28 =	simm.s32 $0x2800  }
0x83: {  	[hbm4b:s4+s2] =	stream.indirect_vreg.scatter [tilespmem:s28], [sflag:$0x1], $0x80, v3, vm0, $0xb8;
	[tilespmem:$0x10100] =	vst v63  }
0x84: {  	s29 =	simm.s32 $0x3000  }
0x85: {  	[hbm4b:s5+s2] =	stream.indirect_vreg.scatter [tilespmem:s29], [sflag:$0x1], $0x80, v3, vm0, $0xb8;
	[tilespmem:$0x10100] =	vst v63  }
0x86: {  	s15 =	simm.s32 $0x3800  }
0x87: {  	[hbm4b:s6+s2] =	stream.indirect_vreg.scatter [tilespmem:s15], [sflag:$0x1], $0x80, v3, vm0, $0xb8;
	[tilespmem:$0x10100] =	vst v63  }
0x88: {  	v3 =	vld [tilespmem:$0x10090];
	_ =	sdelay $0x4  }
0x89: {  	v53 =	vshll.u32 v3, $0x3  }
0x8a: {  	v3 =	vand.u32 $0x7, v3;
	v4 =	vand.u32 $0xFFFFFFC0, v53  }
0x8b: {  	v3 =	vor.u32 v3, v4  }
0x8c: {  	v4 =	vperm.xlane v3, v0;
	_ =	sdelay $0x1  }
0x8d: {  	v4 =	vadd.s32 v1, v4;
	_ =	sdelay $0x3  }
0x8e: {  	s16 =	simm.s32 $0x4000  }
0x8f: {  	[hbm4b:s3+s2] =	stream.indirect_vreg.scatter [tilespmem:s16], [sflag:$0x1], $0x80, v4, vm0, $0xb8;
	[tilespmem:$0x10100] =	vst v63  }
0x90: {  	s17 =	simm.s32 $0x4800;
	v3 =	vperm.xlane v3, v2  }
0x91: {  	[hbm4b:s4+s2] =	stream.indirect_vreg.scatter [tilespmem:s17], [sflag:$0x1], $0x80, v4, vm0, $0xb8;
	[tilespmem:$0x10100] =	vst v63  }
0x92: {  	s0 =	simm.s32 $0x5000;
	v3 =	vadd.s32 v1, v3  }
0x93: {  	[hbm4b:s5+s2] =	stream.indirect_vreg.scatter [tilespmem:s0], [sflag:$0x1], $0x80, v4, vm0, $0xb8;
	[tilespmem:$0x10100] =	vst v63  }
0x94: {  	s15 =	simm.s32 $0x5800  }
0x95: {  	[hbm4b:s6+s2] =	stream.indirect_vreg.scatter [tilespmem:s15], [sflag:$0x1], $0x80, v4, vm0, $0xb8;
	[tilespmem:$0x10100] =	vst v63  }
0x96: {  	s16 =	simm.s32 $0x6000  }
0x97: {  	[hbm4b:s3+s2] =	stream.indirect_vreg.scatter [tilespmem:s16], [sflag:$0x1], $0x80, v3, vm0, $0xb8;
	[tilespmem:$0x10100] =	vst v63  }
0x98: {  	s17 =	simm.s32 $0x6800  }
0x99: {  	[hbm4b:s4+s2] =	stream.indirect_vreg.scatter [tilespmem:s17], [sflag:$0x1], $0x80, v3, vm0, $0xb8;
	[tilespmem:$0x10100] =	vst v63  }
0x9a: {  	s17 =	simm.s32 $0x7000  }
0x9b: {  	[hbm4b:s5+s2] =	stream.indirect_vreg.scatter [tilespmem:s17], [sflag:$0x1], $0x80, v3, vm0, $0xb8;
	[tilespmem:$0x10100] =	vst v63  }
0x9c: {  	s11 =	simm.s32 $0x7800  }
0x9d: {  	[hbm4b:s6+s2] =	stream.indirect_vreg.scatter [tilespmem:s11], [sflag:$0x1], $0x80, v3, vm0, $0xb8;
	[tilespmem:$0x10100] =	vst v63  }
0x9e: {  	v3 =	vld [tilespmem:$0x100A0];
	_ =	sdelay $0x4  }
0x9f: {  	v54 =	vshll.u32 v3, $0x3  }
0xa0: {  	v3 =	vand.u32 $0x7, v3;
	v4 =	vand.u32 $0xFFFFFFC0, v54  }
0xa1: {  	v3 =	vor.u32 v3, v4  }
0xa2: {  	v4 =	vperm.xlane v3, v0;
	_ =	sdelay $0x1  }
0xa3: {  	v4 =	vadd.s32 v1, v4;
	_ =	sdelay $0x3  }
0xa4: {  	s12 =	simm.s32 $0x8000  }
0xa5: {  	[hbm4b:s3+s2] =	stream.indirect_vreg.scatter [tilespmem:s12], [sflag:$0x1], $0x80, v4, vm0, $0xb8;
	[tilespmem:$0x10100] =	vst v63  }
0xa6: {  	s13 =	simm.s32 $0x8800;
	v3 =	vperm.xlane v3, v2  }
0xa7: {  	[hbm4b:s4+s2] =	stream.indirect_vreg.scatter [tilespmem:s13], [sflag:$0x1], $0x80, v4, vm0, $0xb8;
	[tilespmem:$0x10100] =	vst v63  }
0xa8: {  	v3 =	vadd.s32 v1, v3;
	s13 =	simm.s32 $0x9000  }
0xa9: {  	[hbm4b:s5+s2] =	stream.indirect_vreg.scatter [tilespmem:s13], [sflag:$0x1], $0x80, v4, vm0, $0xb8;
	[tilespmem:$0x10100] =	vst v63  }
0xaa: {  	s20 =	simm.s32 $0x9800  }
0xab: {  	[hbm4b:s6+s2] =	stream.indirect_vreg.scatter [tilespmem:s20], [sflag:$0x1], $0x80, v4, vm0, $0xb8;
	[tilespmem:$0x10100] =	vst v63  }
0xac: {  	s21 =	simm.s32 $0xA000  }
0xad: {  	[hbm4b:s3+s2] =	stream.indirect_vreg.scatter [tilespmem:s21], [sflag:$0x1], $0x80, v3, vm0, $0xb8;
	[tilespmem:$0x10100] =	vst v63  }
0xae: {  	s22 =	simm.s32 $0xA800  }
0xaf: {  	[hbm4b:s4+s2] =	stream.indirect_vreg.scatter [tilespmem:s22], [sflag:$0x1], $0x80, v3, vm0, $0xb8;
	[tilespmem:$0x10100] =	vst v63  }
0xb0: {  	s23 =	simm.s32 $0xB000  }
0xb1: {  	[hbm4b:s5+s2] =	stream.indirect_vreg.scatter [tilespmem:s23], [sflag:$0x1], $0x80, v3, vm0, $0xb8;
	[tilespmem:$0x10100] =	vst v63  }
0xb2: {  	s1 =	simm.s32 $0xB800  }
0xb3: {  	[hbm4b:s6+s2] =	stream.indirect_vreg.scatter [tilespmem:s1], [sflag:$0x1], $0x80, v3, vm0, $0xb8;
	[tilespmem:$0x10100] =	vst v63  }
0xb4: {  	v3 =	vld [tilespmem:$0x100B0];
	_ =	sdelay $0x4  }
0xb5: {  	v55 =	vshll.u32 v3, $0x3  }
0xb6: {  	v3 =	vand.u32 $0x7, v3;
	v4 =	vand.u32 $0xFFFFFFC0, v55  }
0xb7: {  	v3 =	vor.u32 v3, v4  }
0xb8: {  	v4 =	vperm.xlane v3, v0;
	_ =	sdelay $0x1  }
0xb9: {  	v4 =	vadd.s32 v1, v4;
	_ =	sdelay $0x3  }
0xba: {  	s9 =	simm.s32 $0xC000  }
0xbb: {  	[hbm4b:s3+s2] =	stream.indirect_vreg.scatter [tilespmem:s9], [sflag:$0x1], $0x80, v4, vm0, $0xb8;
	[tilespmem:$0x10100] =	vst v63  }
0xbc: {  	s10 =	simm.s32 $0xC800;
	v3 =	vperm.xlane v3, v2  }
0xbd: {  	[hbm4b:s4+s2] =	stream.indirect_vreg.scatter [tilespmem:s10], [sflag:$0x1], $0x80, v4, vm0, $0xb8;
	[tilespmem:$0x10100] =	vst v63  }
0xbe: {  	s20 =	simm.s32 $0xD000;
	v3 =	vadd.s32 v1, v3  }
0xbf: {  	[hbm4b:s5+s2] =	stream.indirect_vreg.scatter [tilespmem:s20], [sflag:$0x1], $0x80, v4, vm0, $0xb8;
	[tilespmem:$0x10100] =	vst v63  }
0xc0: {  	s30 =	simm.s32 $0xD800  }
0xc1: {  	[hbm4b:s6+s2] =	stream.indirect_vreg.scatter [tilespmem:s30], [sflag:$0x1], $0x80, v4, vm0, $0xb8;
	[tilespmem:$0x10100] =	vst v63  }
0xc2: {  	s31 =	simm.s32 $0xE000  }
0xc3: {  	[hbm4b:s3+s2] =	stream.indirect_vreg.scatter [tilespmem:s31], [sflag:$0x1], $0x80, v3, vm0, $0xb8;
	[tilespmem:$0x10100] =	vst v63  }
0xc4: {  	s31 =	simm.s32 $0xE800  }
0xc5: {  	[hbm4b:s4+s2] =	stream.indirect_vreg.scatter [tilespmem:s31], [sflag:$0x1], $0x80, v3, vm0, $0xb8;
	[tilespmem:$0x10100] =	vst v63  }
0xc6: {  	s13 =	simm.s32 $0xF000  }
0xc7: {  	[hbm4b:s5+s2] =	stream.indirect_vreg.scatter [tilespmem:s13], [sflag:$0x1], $0x80, v3, vm0, $0xb8;
	[tilespmem:$0x10100] =	vst v63  }
0xc8: {  	s19 =	simm.s32 $0xF800  }
0xc9: {  	[hbm4b:s6+s2] =	stream.indirect_vreg.scatter [tilespmem:s19], [sflag:$0x1], $0x80, v3, vm0, $0xb8;
	[tilespmem:$0x10100] =	vst v63  }
0xca: {  	_ =	swait.ge [sflag:s18], $0x10000  }
0xcb: {  	[sflag:s18] =	ssyncset.done $0x0  }
0xcc: {  	[sflag:s18] =	ssyncadd.s32 $0xFFFF0000  }
0xcd: {  	_ =	swait.ge [sflag:s18], $0x10000  }
0xce: {  	[sflag:s18] =	ssyncset.done $0x0  }
0xcf: {  	s30 =	rddreg [dreg:$0x6];
	[sflag:s18] =	ssyncadd.s32 $0xFFFF0000  }
0xd0: {  	[tilespmem:s2], [sflag:$0x2] =	stream.linear.gather [hbm4b:s30+s2], $0x10000, $0x38;
	[tilespmem:$0x10100] =	vst v63  }
0xd1: {  	_ =	swait.ge [sflag:s8], $0x10000  }
0xd2: {  	[sflag:s8] =	ssyncset.done $0x0  }
0xd3: {  	s30 =	simm.s32 $0x10000;
	s10 =	rddreg [dreg:$0x7];
	[sflag:s8] =	ssyncadd.s32 $0xFFFF0000  }
0xd4: {  	[tilespmem:s30], [sflag:$0x2] =	stream.linear.gather [hbm4b:s10+s2], $0x40, $0x38;
	[tilespmem:$0x10100] =	vst v63  }
0xd5: {  	_ =	swait.ge [sflag:s8], $0x40  }
0xd6: {  	[sflag:s8] =	ssyncset.done $0x0  }
0xd7: {  	s30 =	simm.s32 $0x10080;
	s10 =	rddreg [dreg:$0x8];
	[sflag:s8] =	ssyncadd.s32 $0xFFFFFFC0  }
0xd8: {  	[tilespmem:s30], [sflag:$0x2] =	stream.linear.gather [hbm4b:s10+s2], $0x40, $0x38;
	[tilespmem:$0x10100] =	vst v63  }
0xd9: {  	_ =	swait.ge [sflag:s8], $0x40  }
0xda: {  	[sflag:s8] =	ssyncset.done $0x0  }
0xdb: {  	[sflag:s8] =	ssyncadd.s32 $0xFFFFFFC0  }
0xdc: {  	v3 =	vld [tilespmem:$0x10000];
	_ =	sdelay $0x4  }
0xdd: {  	v56 =	vshll.u32 v3, $0x3  }
0xde: {  	v3 =	vand.u32 $0x7, v3;
	v4 =	vand.u32 $0xFFFFFFC0, v56  }
0xdf: {  	v3 =	vor.u32 v3, v4  }
0xe0: {  	v4 =	vperm.xlane v3, v0;
	_ =	sdelay $0x1  }
0xe1: {  	v4 =	vadd.s32 v1, v4;
	_ =	sdelay $0x4  }
0xe2: {  	[hbm4b:s3+s2] =	stream.indirect_vreg.scatter [tilespmem:s2], [sflag:$0x1], $0x80, v4, vm0, $0xb8;
	[tilespmem:$0x10100] =	vst v63  }
0xe3: {  	s30 =	simm.s32 $0x800;
	v3 =	vperm.xlane v3, v2  }
0xe4: {  	[hbm4b:s4+s2] =	stream.indirect_vreg.scatter [tilespmem:s30], [sflag:$0x1], $0x80, v4, vm0, $0xb8;
	[tilespmem:$0x10100] =	vst v63  }
0xe5: {  	s24 =	simm.s32 $0x1000;
	v3 =	vadd.s32 v1, v3  }
0xe6: {  	[hbm4b:s5+s2] =	stream.indirect_vreg.scatter [tilespmem:s24], [sflag:$0x1], $0x80, v4, vm0, $0xb8;
	[tilespmem:$0x10100] =	vst v63  }
0xe7: {  	s25 =	simm.s32 $0x1800  }
0xe8: {  	[hbm4b:s6+s2] =	stream.indirect_vreg.scatter [tilespmem:s25], [sflag:$0x1], $0x80, v4, vm0, $0xb8;
	[tilespmem:$0x10100] =	vst v63  }
0xe9: {  	s26 =	simm.s32 $0x2000  }
0xea: {  	[hbm4b:s3+s2] =	stream.indirect_vreg.scatter [tilespmem:s26], [sflag:$0x1], $0x80, v3, vm0, $0xb8;
	[tilespmem:$0x10100] =	vst v63  }
0xeb: {  	s28 =	simm.s32 $0x2800  }
0xec: {  	[hbm4b:s4+s2] =	stream.indirect_vreg.scatter [tilespmem:s28], [sflag:$0x1], $0x80, v3, vm0, $0xb8;
	[tilespmem:$0x10100] =	vst v63  }
0xed: {  	s29 =	simm.s32 $0x3000  }
0xee: {  	[hbm4b:s5+s2] =	stream.indirect_vreg.scatter [tilespmem:s29], [sflag:$0x1], $0x80, v3, vm0, $0xb8;
	[tilespmem:$0x10100] =	vst v63  }
0xef: {  	s19 =	simm.s32 $0x3800  }
0xf0: {  	[hbm4b:s6+s2] =	stream.indirect_vreg.scatter [tilespmem:s19], [sflag:$0x1], $0x80, v3, vm0, $0xb8;
	[tilespmem:$0x10100] =	vst v63  }
0xf1: {  	v3 =	vld [tilespmem:$0x10010];
	_ =	sdelay $0x4  }
0xf2: {  	v57 =	vshll.u32 v3, $0x3  }
0xf3: {  	v3 =	vand.u32 $0x7, v3;
	v4 =	vand.u32 $0xFFFFFFC0, v57  }
0xf4: {  	v3 =	vor.u32 v3, v4  }
0xf5: {  	v4 =	vperm.xlane v3, v0;
	_ =	sdelay $0x1  }
0xf6: {  	v4 =	vadd.s32 v1, v4;
	_ =	sdelay $0x3  }
0xf7: {  	s30 =	simm.s32 $0x4000  }
0xf8: {  	[hbm4b:s3+s2] =	stream.indirect_vreg.scatter [tilespmem:s30], [sflag:$0x1], $0x80, v4, vm0, $0xb8;
	[tilespmem:$0x10100] =	vst v63  }
0xf9: {  	s19 =	simm.s32 $0x4800;
	v3 =	vperm.xlane v3, v2  }
0xfa: {  	[hbm4b:s4+s2] =	stream.indirect_vreg.scatter [tilespmem:s19], [sflag:$0x1], $0x80, v4, vm0, $0xb8;
	[tilespmem:$0x10100] =	vst v63  }
0xfb: {  	v3 =	vadd.s32 v1, v3  }
0xfc: {  	[hbm4b:s5+s2] =	stream.indirect_vreg.scatter [tilespmem:s0], [sflag:$0x1], $0x80, v4, vm0, $0xb8;
	[tilespmem:$0x10100] =	vst v63  }
0xfd: {  	s14 =	simm.s32 $0x5800  }
0xfe: {  	[hbm4b:s6+s2] =	stream.indirect_vreg.scatter [tilespmem:s14], [sflag:$0x1], $0x80, v4, vm0, $0xb8;
	[tilespmem:$0x10100] =	vst v63  }
0xff: {  	s15 =	simm.s32 $0x6000  }
0x100: {  	[hbm4b:s3+s2] =	stream.indirect_vreg.scatter [tilespmem:s15], [sflag:$0x1], $0x80, v3, vm0, $0xb8;
	[tilespmem:$0x10100] =	vst v63  }
0x101: {  	s16 =	simm.s32 $0x6800  }
0x102: {  	[hbm4b:s4+s2] =	stream.indirect_vreg.scatter [tilespmem:s16], [sflag:$0x1], $0x80, v3, vm0, $0xb8;
	[tilespmem:$0x10100] =	vst v63  }
0x103: {  	s17 =	simm.s32 $0x7000  }
0x104: {  	[hbm4b:s5+s2] =	stream.indirect_vreg.scatter [tilespmem:s17], [sflag:$0x1], $0x80, v3, vm0, $0xb8;
	[tilespmem:$0x10100] =	vst v63  }
0x105: {  	s30 =	simm.s32 $0x7800  }
0x106: {  	[hbm4b:s6+s2] =	stream.indirect_vreg.scatter [tilespmem:s30], [sflag:$0x1], $0x80, v3, vm0, $0xb8;
	[tilespmem:$0x10100] =	vst v63  }
0x107: {  	v3 =	vld [tilespmem:$0x10020];
	_ =	sdelay $0x4  }
0x108: {  	v58 =	vshll.u32 v3, $0x3  }
0x109: {  	v3 =	vand.u32 $0x7, v3;
	v4 =	vand.u32 $0xFFFFFFC0, v58  }
0x10a: {  	v3 =	vor.u32 v3, v4  }
0x10b: {  	v4 =	vperm.xlane v3, v0;
	_ =	sdelay $0x1  }
0x10c: {  	v4 =	vadd.s32 v1, v4;
	_ =	sdelay $0x3  }
0x10d: {  	s0 =	simm.s32 $0x8000  }
0x10e: {  	[hbm4b:s3+s2] =	stream.indirect_vreg.scatter [tilespmem:s0], [sflag:$0x1], $0x80, v4, vm0, $0xb8;
	[tilespmem:$0x10100] =	vst v63  }
0x10f: {  	s19 =	simm.s32 $0x8800;
	v3 =	vperm.xlane v3, v2  }
0x110: {  	[hbm4b:s4+s2] =	stream.indirect_vreg.scatter [tilespmem:s19], [sflag:$0x1], $0x80, v4, vm0, $0xb8;
	[tilespmem:$0x10100] =	vst v63  }
0x111: {  	s11 =	simm.s32 $0x9000;
	v3 =	vadd.s32 v1, v3  }
0x112: {  	[hbm4b:s5+s2] =	stream.indirect_vreg.scatter [tilespmem:s11], [sflag:$0x1], $0x80, v4, vm0, $0xb8;
	[tilespmem:$0x10100] =	vst v63  }
0x113: {  	s12 =	simm.s32 $0x9800  }
0x114: {  	[hbm4b:s6+s2] =	stream.indirect_vreg.scatter [tilespmem:s12], [sflag:$0x1], $0x80, v4, vm0, $0xb8;
	[tilespmem:$0x10100] =	vst v63  }
0x115: {  	s21 =	simm.s32 $0xA000  }
0x116: {  	[hbm4b:s3+s2] =	stream.indirect_vreg.scatter [tilespmem:s21], [sflag:$0x1], $0x80, v3, vm0, $0xb8;
	[tilespmem:$0x10100] =	vst v63  }
0x117: {  	s22 =	simm.s32 $0xA800  }
0x118: {  	[hbm4b:s4+s2] =	stream.indirect_vreg.scatter [tilespmem:s22], [sflag:$0x1], $0x80, v3, vm0, $0xb8;
	[tilespmem:$0x10100] =	vst v63  }
0x119: {  	s23 =	simm.s32 $0xB000  }
0x11a: {  	[hbm4b:s5+s2] =	stream.indirect_vreg.scatter [tilespmem:s23], [sflag:$0x1], $0x80, v3, vm0, $0xb8;
	[tilespmem:$0x10100] =	vst v63  }
0x11b: {  	s30 =	simm.s32 $0xB800  }
0x11c: {  	[hbm4b:s6+s2] =	stream.indirect_vreg.scatter [tilespmem:s30], [sflag:$0x1], $0x80, v3, vm0, $0xb8;
	[tilespmem:$0x10100] =	vst v63  }
0x11d: {  	v3 =	vld [tilespmem:$0x10030];
	_ =	sdelay $0x4  }
0x11e: {  	v59 =	vshll.u32 v3, $0x3  }
0x11f: {  	v3 =	vand.u32 $0x7, v3;
	v4 =	vand.u32 $0xFFFFFFC0, v59  }
0x120: {  	v3 =	vor.u32 v3, v4  }
0x121: {  	v4 =	vperm.xlane v3, v0;
	_ =	sdelay $0x1  }
0x122: {  	v4 =	vadd.s32 v1, v4;
	_ =	sdelay $0x3  }
0x123: {  	s1 =	simm.s32 $0xC000  }
0x124: {  	[hbm4b:s3+s2] =	stream.indirect_vreg.scatter [tilespmem:s1], [sflag:$0x1], $0x80, v4, vm0, $0xb8;
	[tilespmem:$0x10100] =	vst v63  }
0x125: {  	s9 =	simm.s32 $0xC800;
	v3 =	vperm.xlane v3, v2  }
0x126: {  	[hbm4b:s4+s2] =	stream.indirect_vreg.scatter [tilespmem:s9], [sflag:$0x1], $0x80, v4, vm0, $0xb8;
	[tilespmem:$0x10100] =	vst v63  }
0x127: {  	s19 =	simm.s32 $0xD000;
	v3 =	vadd.s32 v1, v3  }
0x128: {  	[hbm4b:s5+s2] =	stream.indirect_vreg.scatter [tilespmem:s19], [sflag:$0x1], $0x80, v4, vm0, $0xb8;
	[tilespmem:$0x10100] =	vst v63  }
0x129: {  	s20 =	simm.s32 $0xD800  }
0x12a: {  	[hbm4b:s6+s2] =	stream.indirect_vreg.scatter [tilespmem:s20], [sflag:$0x1], $0x80, v4, vm0, $0xb8;
	[tilespmem:$0x10100] =	vst v63  }
0x12b: {  	s0 =	simm.s32 $0xE000  }
0x12c: {  	[hbm4b:s3+s2] =	stream.indirect_vreg.scatter [tilespmem:s0], [sflag:$0x1], $0x80, v3, vm0, $0xb8;
	[tilespmem:$0x10100] =	vst v63  }
0x12d: {  	s0 =	simm.s32 $0xE800  }
0x12e: {  	[hbm4b:s4+s2] =	stream.indirect_vreg.scatter [tilespmem:s0], [sflag:$0x1], $0x80, v3, vm0, $0xb8;
	[tilespmem:$0x10100] =	vst v63  }
0x12f: {  	s13 =	simm.s32 $0xF000  }
0x130: {  	[hbm4b:s5+s2] =	stream.indirect_vreg.scatter [tilespmem:s13], [sflag:$0x1], $0x80, v3, vm0, $0xb8;
	[tilespmem:$0x10100] =	vst v63  }
0x131: {  	s31 =	simm.s32 $0xF800  }
0x132: {  	[hbm4b:s6+s2] =	stream.indirect_vreg.scatter [tilespmem:s31], [sflag:$0x1], $0x80, v3, vm0, $0xb8;
	[tilespmem:$0x10100] =	vst v63  }
0x133: {  	v3 =	vld [tilespmem:$0x10080];
	_ =	sdelay $0x4  }
0x134: {  	v60 =	vshll.u32 v3, $0x3  }
0x135: {  	v3 =	vand.u32 $0x7, v3;
	v4 =	vand.u32 $0xFFFFFFC0, v60  }
0x136: {  	v3 =	vor.u32 v3, v4  }
0x137: {  	v4 =	vperm.xlane v3, v0;
	_ =	sdelay $0x1  }
0x138: {  	v4 =	vadd.s32 v1, v4;
	_ =	sdelay $0x4  }
0x139: {  	[hbm4b:s3+s2] =	stream.indirect_vreg.scatter [tilespmem:s2], [sflag:$0x1], $0x80, v4, vm0, $0xb8;
	[tilespmem:$0x10100] =	vst v63  }
0x13a: {  	s0 =	simm.s32 $0x800;
	v3 =	vperm.xlane v3, v2  }
0x13b: {  	[hbm4b:s4+s2] =	stream.indirect_vreg.scatter [tilespmem:s0], [sflag:$0x1], $0x80, v4, vm0, $0xb8;
	[tilespmem:$0x10100] =	vst v63  }
0x13c: {  	s24 =	simm.s32 $0x1000;
	v3 =	vadd.s32 v1, v3  }
0x13d: {  	[hbm4b:s5+s2] =	stream.indirect_vreg.scatter [tilespmem:s24], [sflag:$0x1], $0x80, v4, vm0, $0xb8;
	[tilespmem:$0x10100] =	vst v63  }
0x13e: {  	s25 =	simm.s32 $0x1800  }
0x13f: {  	[hbm4b:s6+s2] =	stream.indirect_vreg.scatter [tilespmem:s25], [sflag:$0x1], $0x80, v4, vm0, $0xb8;
	[tilespmem:$0x10100] =	vst v63  }
0x140: {  	s26 =	simm.s32 $0x2000  }
0x141: {  	[hbm4b:s3+s2] =	stream.indirect_vreg.scatter [tilespmem:s26], [sflag:$0x1], $0x80, v3, vm0, $0xb8;
	[tilespmem:$0x10100] =	vst v63  }
0x142: {  	s28 =	simm.s32 $0x2800  }
0x143: {  	[hbm4b:s4+s2] =	stream.indirect_vreg.scatter [tilespmem:s28], [sflag:$0x1], $0x80, v3, vm0, $0xb8;
	[tilespmem:$0x10100] =	vst v63  }
0x144: {  	s29 =	simm.s32 $0x3000  }
0x145: {  	[hbm4b:s5+s2] =	stream.indirect_vreg.scatter [tilespmem:s29], [sflag:$0x1], $0x80, v3, vm0, $0xb8;
	[tilespmem:$0x10100] =	vst v63  }
0x146: {  	s28 =	simm.s32 $0x3800  }
0x147: {  	[hbm4b:s6+s2] =	stream.indirect_vreg.scatter [tilespmem:s28], [sflag:$0x1], $0x80, v3, vm0, $0xb8;
	[tilespmem:$0x10100] =	vst v63  }
0x148: {  	v3 =	vld [tilespmem:$0x10090];
	_ =	sdelay $0x4  }
0x149: {  	v61 =	vshll.u32 v3, $0x3  }
0x14a: {  	v3 =	vand.u32 $0x7, v3;
	v4 =	vand.u32 $0xFFFFFFC0, v61  }
0x14b: {  	v3 =	vor.u32 v3, v4  }
0x14c: {  	v4 =	vperm.xlane v3, v0;
	_ =	sdelay $0x1  }
0x14d: {  	v4 =	vadd.s32 v1, v4;
	_ =	sdelay $0x3  }
0x14e: {  	s29 =	simm.s32 $0x4000  }
0x14f: {  	[hbm4b:s3+s2] =	stream.indirect_vreg.scatter [tilespmem:s29], [sflag:$0x1], $0x80, v4, vm0, $0xb8;
	[tilespmem:$0x10100] =	vst v63  }
0x150: {  	s24 =	simm.s32 $0x4800;
	v3 =	vperm.xlane v3, v2  }
0x151: {  	[hbm4b:s4+s2] =	stream.indirect_vreg.scatter [tilespmem:s24], [sflag:$0x1], $0x80, v4, vm0, $0xb8;
	[tilespmem:$0x10100] =	vst v63  }
0x152: {  	s25 =	simm.s32 $0x5000;
	v3 =	vadd.s32 v1, v3  }
0x153: {  	[hbm4b:s5+s2] =	stream.indirect_vreg.scatter [tilespmem:s25], [sflag:$0x1], $0x80, v4, vm0, $0xb8;
	[tilespmem:$0x10100] =	vst v63  }
0x154: {  	s14 =	simm.s32 $0x5800  }
0x155: {  	[hbm4b:s6+s2] =	stream.indirect_vreg.scatter [tilespmem:s14], [sflag:$0x1], $0x80, v4, vm0, $0xb8;
	[tilespmem:$0x10100] =	vst v63  }
0x156: {  	s15 =	simm.s32 $0x6000  }
0x157: {  	[hbm4b:s3+s2] =	stream.indirect_vreg.scatter [tilespmem:s15], [sflag:$0x1], $0x80, v3, vm0, $0xb8;
	[tilespmem:$0x10100] =	vst v63  }
0x158: {  	s16 =	simm.s32 $0x6800  }
0x159: {  	[hbm4b:s4+s2] =	stream.indirect_vreg.scatter [tilespmem:s16], [sflag:$0x1], $0x80, v3, vm0, $0xb8;
	[tilespmem:$0x10100] =	vst v63  }
0x15a: {  	s17 =	simm.s32 $0x7000  }
0x15b: {  	[hbm4b:s5+s2] =	stream.indirect_vreg.scatter [tilespmem:s17], [sflag:$0x1], $0x80, v3, vm0, $0xb8;
	[tilespmem:$0x10100] =	vst v63  }
0x15c: {  	s26 =	simm.s32 $0x7800  }
0x15d: {  	[hbm4b:s6+s2] =	stream.indirect_vreg.scatter [tilespmem:s26], [sflag:$0x1], $0x80, v3, vm0, $0xb8;
	[tilespmem:$0x10100] =	vst v63  }
0x15e: {  	v3 =	vld [tilespmem:$0x100A0];
	_ =	sdelay $0x4  }
0x15f: {  	v62 =	vshll.u32 v3, $0x3  }
0x160: {  	v3 =	vand.u32 $0x7, v3;
	v4 =	vand.u32 $0xFFFFFFC0, v62  }
0x161: {  	v3 =	vor.u32 v3, v4  }
0x162: {  	v4 =	vperm.xlane v3, v0;
	_ =	sdelay $0x1  }
0x163: {  	v4 =	vadd.s32 v1, v4;
	_ =	sdelay $0x3  }
0x164: {  	s28 =	simm.s32 $0x8000  }
0x165: {  	[hbm4b:s3+s2] =	stream.indirect_vreg.scatter [tilespmem:s28], [sflag:$0x1], $0x80, v4, vm0, $0xb8;
	[tilespmem:$0x10100] =	vst v63  }
0x166: {  	s29 =	simm.s32 $0x8800;
	v3 =	vperm.xlane v3, v2  }
0x167: {  	[hbm4b:s4+s2] =	stream.indirect_vreg.scatter [tilespmem:s29], [sflag:$0x1], $0x80, v4, vm0, $0xb8;
	[tilespmem:$0x10100] =	vst v63  }
0x168: {  	s11 =	simm.s32 $0x9000;
	v3 =	vadd.s32 v1, v3  }
0x169: {  	[hbm4b:s5+s2] =	stream.indirect_vreg.scatter [tilespmem:s11], [sflag:$0x1], $0x80, v4, vm0, $0xb8;
	[tilespmem:$0x10100] =	vst v63  }
0x16a: {  	s12 =	simm.s32 $0x9800  }
0x16b: {  	[hbm4b:s6+s2] =	stream.indirect_vreg.scatter [tilespmem:s12], [sflag:$0x1], $0x80, v4, vm0, $0xb8;
	[tilespmem:$0x10100] =	vst v63  }
0x16c: {  	s21 =	simm.s32 $0xA000  }
0x16d: {  	[hbm4b:s3+s2] =	stream.indirect_vreg.scatter [tilespmem:s21], [sflag:$0x1], $0x80, v3, vm0, $0xb8;
	[tilespmem:$0x10100] =	vst v63  }
0x16e: {  	s22 =	simm.s32 $0xA800  }
0x16f: {  	[hbm4b:s4+s2] =	stream.indirect_vreg.scatter [tilespmem:s22], [sflag:$0x1], $0x80, v3, vm0, $0xb8;
	[tilespmem:$0x10100] =	vst v63  }
0x170: {  	s23 =	simm.s32 $0xB000  }
0x171: {  	[hbm4b:s5+s2] =	stream.indirect_vreg.scatter [tilespmem:s23], [sflag:$0x1], $0x80, v3, vm0, $0xb8;
	[tilespmem:$0x10100] =	vst v63  }
0x172: {  	s30 =	simm.s32 $0xB800  }
0x173: {  	[hbm4b:s6+s2] =	stream.indirect_vreg.scatter [tilespmem:s30], [sflag:$0x1], $0x80, v3, vm0, $0xb8;
	[tilespmem:$0x10100] =	vst v63  }
0x174: {  	v3 =	vld [tilespmem:$0x100B0];
	_ =	sdelay $0x4  }
0x175: {  	v63 =	vshll.u32 v3, $0x3  }
0x176: {  	v3 =	vand.u32 $0x7, v3;
	v4 =	vand.u32 $0xFFFFFFC0, v63  }
0x177: {  	v3 =	vor.u32 v3, v4  }
0x178: {  	v4 =	vperm.xlane v3, v0;
	_ =	sdelay $0x1  }
0x179: {  	v4 =	vadd.s32 v1, v4;
	_ =	sdelay $0x3  }
0x17a: {  	s1 =	simm.s32 $0xC000  }
0x17b: {  	[hbm4b:s3+s2] =	stream.indirect_vreg.scatter [tilespmem:s1], [sflag:$0x1], $0x80, v4, vm0, $0xb8;
	[tilespmem:$0x10100] =	vst v63  }
0x17c: {  	s9 =	simm.s32 $0xC800;
	v3 =	vperm.xlane v3, v2  }
0x17d: {  	[hbm4b:s4+s2] =	stream.indirect_vreg.scatter [tilespmem:s9], [sflag:$0x1], $0x80, v4, vm0, $0xb8;
	[tilespmem:$0x10100] =	vst v63  }
0x17e: {  	v3 =	vadd.s32 v1, v3  }
0x17f: {  	[hbm4b:s5+s2] =	stream.indirect_vreg.scatter [tilespmem:s19], [sflag:$0x1], $0x80, v4, vm0, $0xb8;
	[tilespmem:$0x10100] =	vst v63  }
0x180: {  	s20 =	simm.s32 $0xD800  }
0x181: {  	[hbm4b:s6+s2] =	stream.indirect_vreg.scatter [tilespmem:s20], [sflag:$0x1], $0x80, v4, vm0, $0xb8;
	[tilespmem:$0x10100] =	vst v63  }
0x182: {  	s30 =	simm.s32 $0xE000  }
0x183: {  	[hbm4b:s3+s2] =	stream.indirect_vreg.scatter [tilespmem:s30], [sflag:$0x1], $0x80, v3, vm0, $0xb8;
	[tilespmem:$0x10100] =	vst v63  }
0x184: {  	s10 =	simm.s32 $0xE800  }
0x185: {  	[hbm4b:s4+s2] =	stream.indirect_vreg.scatter [tilespmem:s10], [sflag:$0x1], $0x80, v3, vm0, $0xb8;
	[tilespmem:$0x10100] =	vst v63  }
0x186: {  	s13 =	simm.s32 $0xF000  }
0x187: {  	[hbm4b:s5+s2] =	stream.indirect_vreg.scatter [tilespmem:s13], [sflag:$0x1], $0x80, v3, vm0, $0xb8;
	[tilespmem:$0x10100] =	vst v63  }
0x188: {  	s31 =	simm.s32 $0xF800  }
0x189: {  	[hbm4b:s6+s2] =	stream.indirect_vreg.scatter [tilespmem:s31], [sflag:$0x1], $0x80, v3, vm0, $0xb8;
	[tilespmem:$0x10100] =	vst v63  }
0x18a: {  	p0 =	sne.s32 s7, $0x1;
	_ =	swait.ge [sflag:s18], $0x10000  }
.Ltmp0:
0x18b: {  	[sflag:s18] =	ssyncset.done $0x0;
	(pc) =	sbr.rel @p0 .LBB2_1-.Ltmp0, $4  }
0x18c: {  	[sflag:s18] =	ssyncadd.s32 $0xFFFF0000  }
0x18d: {  	_ =	swait.ge [sflag:s18], $0x10000  }
0x18e: {  	[sflag:s18] =	ssyncset.done $0x0  }
0x18f: {  	s7 =	sadd.s32 $0xFFFFFFFF, s7;
	[sflag:s18] =	ssyncadd.s32 $0xFFFF0000  }
0x190: {  	_ =	sfence.sel $0x180000  }
0x191: {  	[bflag:$0x0] =	sbarrier.arrive $0xFFFF  }
0x192: {  	_ =	strace $0x90000047  }
0x193: {  	s0 =	stileid.u32;
	[bflag:$0x2] =	sbarrier.arrive $0xFFFF  }
0x194: {  	p0 =	sne.s32 s0, $0x0;
	s0 =	rddreg [dreg:$0x2]  }
0x195: {  	s0 =	sadd.s32 @!p0 $0x100000, s0  }
0x196: {  	[sflag:s0] =	ssyncadd.tile.s32 @!p0 $0x1;
	_ =	shalt  }
.Lfunc_end2:
_tile_overlayer_lowered:
.L_overlay_start_2:
0x197: {  	(tag) =	ssettag $0x2  }
0x198: {  	s0 =	rddreg [dreg:$0x0];
	s2 =	stileid.u32  }
0x199: {  	s1 =	rddreg [dreg:$0x1];
	p0 =	sne.s32 s2, $0x0  }
0x19a: {  	s3 =	rddreg [dreg:$0x2];
	[bflag:$0x3] =	sbarrier.arrive $0xFFFF;
	s2 =	simm.s32 @!p0 $0x1C02  }
0x19b: {  	[timem:s3], [sflag:s2] =	dma.local @!p0 [hbm:s0], s1  }
0x19c: {  	s0 =	simm.s32 @!p0 $0x2  }
0x19d: {  	_ =	swait.ge @!p0 [sflag:s0], s1  }
0x19e: {  	s1 =	ssub.s32 @!p0 $0x0, s1;
	[sflag:s0] =	ssyncset.done @!p0 $0x0  }
0x19f: {  	[sflag:s0] =	ssyncadd.s32 @!p0 s1  }
0x1a0: {  	[bflag:$0x3] =	sbarrier.arrive $0xFFFF  }
0x1a1: {  	_ =	shalt  }

</sc_bundles>
